<compile_context>
chip_gen: v7x
topology: tpu7x:2x2x1
jax: 0.10.2.dev20260603
libtpu: 0.0.44.dev20260713+nightly
codegen_flags: <defaults>
</compile_context>

<pallas_src>
import functools

import jax
import jax.numpy as jnp
from jax import lax
from jax.experimental import pallas as pl
from jax.experimental.pallas import tpu as pltpu
from jax.experimental.pallas import tpu_sc as plsc

N = 100000
E = 1600000
D = 32

BE = 4000
BN = 4000

NC = 2
NS = 16
NW = NC * NS
EPW = E // NW
GCH = 400
GSTEPS = EPW // GCH


def _sc_gather(table, src, dst):
    mesh = plsc.VectorSubcoreMesh(core_axis_name="c", subcore_axis_name="s")

    @functools.partial(
        pl.kernel,
        mesh=mesh,
        out_type=(
            jax.ShapeDtypeStruct((E, 128), jnp.float32),
            jax.ShapeDtypeStruct((E, 128), jnp.float32),
        ),
        scratch_types=[
            pltpu.VMEM((GCH,), jnp.int32),
            pltpu.VMEM((GCH,), jnp.int32),
            pltpu.VMEM((GCH, 128), jnp.float32),
            pltpu.VMEM((GCH, 128), jnp.float32),
            pltpu.SemaphoreType.DMA,
        ],
    )
    def gather_k(t_hbm, src_hbm, dst_hbm, rd_hbm, rs_hbm,
                 idxs_v, idxd_v, rs_v, rd_v, sem):
        wid = lax.axis_index("s") * NC + lax.axis_index("c")
        base = wid * EPW

        def step(i, carry):
            off = base + i * GCH
            pltpu.sync_copy(src_hbm.at[pl.ds(off, GCH)], idxs_v)
            pltpu.sync_copy(dst_hbm.at[pl.ds(off, GCH)], idxd_v)
            c1 = pltpu.async_copy(t_hbm.at[idxs_v], rs_v, sem)
            c2 = pltpu.async_copy(t_hbm.at[idxd_v], rd_v, sem)
            c1.wait()
            c2.wait()
            pltpu.sync_copy(rs_v, rs_hbm.at[pl.ds(off, GCH)])
            pltpu.sync_copy(rd_v, rd_hbm.at[pl.ds(off, GCH)])
            return carry

        lax.fori_loop(0, GSTEPS, step, 0)

    return gather_k(table, src, dst)


R = 12800
NCHUNK = 8
SPT = E // NS
DBLK = 2000
NBLK = SPT // DBLK
VPB = DBLK // 16
K = 128


def _sc_scatter(payload, dst):
    mesh = plsc.VectorSubcoreMesh(core_axis_name="c", subcore_axis_name="s")

    @functools.partial(
        pl.kernel,
        mesh=mesh,
        out_type=jax.ShapeDtypeStruct((NCHUNK * R, 128), jnp.float32),
        scratch_types=[
            pltpu.VMEM((DBLK,), jnp.int32),
            pltpu.VMEM((K,), jnp.int32),
            pltpu.VMEM((K,), jnp.int32),
            pltpu.VMEM((16,), jnp.int32),
            pltpu.VMEM((K, 128), jnp.float32),
            pltpu.VMEM_SHARED((R + 16, 128), jnp.float32),
            pltpu.SemaphoreType.DMA,
            pltpu.SemaphoreType.DMA,
        ],
    )
    def scatter_k(pay_hbm, dst_hbm, out_hbm,
                  dblk_v, sloc_v, seid_v, psv_v, rows_v, acc_sh, gsem, ssem):
        cid = lax.axis_index("c")
        sid = lax.axis_index("s")
        iota = lax.iota(jnp.int32, 16)
        full16 = jnp.full((16,), R, jnp.int32)

        def refill_stage():
            for j in range(K // 16):
                sloc_v[pl.ds(j * 16, 16)] = full16
                seid_v[pl.ds(j * 16, 16)] = iota + (sid * (K // 16) + j) * 16

        def flush():
            pltpu.async_copy(pay_hbm.at[seid_v], rows_v, gsem).wait()
            pltpu.sync_copy(rows_v, acc_sh.at[sloc_v], add=True)
            refill_stage()

        def do_chunk(c, _):
            lo = c * R
            zero16 = jnp.zeros((16,), jnp.float32)

            def zrow(i, _):
                for j in range(8):
                    rows_v[i, pl.ds(j * 16, 16)] = zero16
                return 0

            lax.fori_loop(0, K, zrow, 0)
            for j in range(R // NS // K):
                pltpu.sync_copy(
                    rows_v, acc_sh.at[pl.ds(sid * (R // NS) + j * K, K)])
            pltpu.sync_copy(
                rows_v.at[pl.ds(0, R // NS - (R // NS // K) * K)],
                acc_sh.at[pl.ds(sid * (R // NS) + (R // NS // K) * K,
                                R // NS - (R // NS // K) * K)])

            @pl.when(sid == 0)
            def _():
                pltpu.sync_copy(rows_v.at[pl.ds(0, 16)], acc_sh.at[pl.ds(R, 16)])

            refill_stage()
            plsc.subcore_barrier()

            def do_block(b, cnt):
                off = sid * SPT + b * DBLK
                pltpu.sync_copy(dst_hbm.at[pl.ds(off, DBLK)], dblk_v)

                def do_vreg(k, cnt):
                    d = dblk_v[pl.ds(k * 16, 16)]
                    m = (d >= lo) & (d < lo + R)
                    mi = jnp.where(m, jnp.int32(1), jnp.int32(0))
                    ps = mi
                    for sh in (1, 2, 4, 8):
                        idx = jnp.maximum(iota - sh, 0)
                        g = ps.at[idx].get(mode="promise_in_bounds")
                        ps = ps + jnp.where(iota >= sh, g, jnp.int32(0))
                    pm = jnp.zeros((16,), jnp.int32)
                    for step in (8, 4, 2, 1):
                        nxt = pm + step
                        v = ps.at[nxt - 1].get(mode="promise_in_bounds")
                        pm = jnp.where(v <= iota, nxt, pm)
                    pm = jnp.minimum(pm, 15)
                    cb = ps.at[jnp.full((16,), 15, jnp.int32)].get(
                        mode="promise_in_bounds")
                    valid = iota < cb
                    locv = jnp.where(m, d - lo, jnp.int32(R))
                    eidv = jnp.where(m, off + k * 16 + iota, iota)
                    loc_c = jnp.where(
                        valid, locv.at[pm].get(mode="promise_in_bounds"),
                        jnp.int32(R))
                    eid_c = jnp.where(
                        valid, eidv.at[pm].get(mode="promise_in_bounds"),
                        iota)
                    sloc_v[pl.ds(cnt, 16)] = loc_c
                    seid_v[pl.ds(cnt, 16)] = eid_c
                    cnt = cnt + ps[15]

                    def do_flush(c0):
                        flush()
                        return jnp.int32(0)

                    return lax.cond(cnt > K - 16, do_flush, lambda c0: c0, cnt)

                return lax.fori_loop(0, VPB, do_vreg, cnt)

            cnt = lax.fori_loop(0, NBLK, do_block, jnp.int32(0))
            flush()
            plsc.subcore_barrier()
            pltpu.sync_copy(
                acc_sh.at[pl.ds(sid * (R // NS), R // NS)],
                out_hbm.at[pl.ds(lo + sid * (R // NS), R // NS)])
            return 0

        def chunk_loop(i, _):
            return do_chunk(i * NC + cid, 0)

        lax.fori_loop(0, NCHUNK // NC, chunk_loop, 0)

    return scatter_k(payload, dst)


def _edge_payload_body(rd_ref, rs_ref, w1_ref, w2_ref, wx_ref, w9_ref,
                       watt2_ref, out_ref):
    rd = rd_ref[...]
    rs = rs_ref[...]
    lane = lax.broadcasted_iota(jnp.int32, (1, 128), 1)
    m = (lane < 16).astype(jnp.float32)
    d = (rd - rs) * m
    dist = jnp.sqrt(jnp.sum(d * d, axis=1, keepdims=True))
    pre = (jnp.dot(rd, w1_ref[...], preferred_element_type=jnp.float32)
           + jnp.dot(rs, w2_ref[...], preferred_element_type=jnp.float32)
           + dist * w9_ref[0:1, :] + w9_ref[1:2, :])
    r = jnp.maximum(pre, 0.0)
    logits = (jnp.dot(rs, wx_ref[...], preferred_element_type=jnp.float32)
              + jnp.dot(r, watt2_ref[...], preferred_element_type=jnp.float32))
    ex = jnp.exp(logits)
    xj = rs[:, 16:48]
    out_ref[:, 0:32] = ex[:, 0:32] * xj
    out_ref[:, 32:64] = ex[:, 32:64] * r
    out_ref[:, 64:128] = ex


def _edge_payload(rd, rs, w1, w2, wx, w9b, watt2):
    grid = (E // BE,)
    return pl.pallas_call(
        _edge_payload_body,
        grid=grid,
        in_specs=[
            pl.BlockSpec((BE, 128), lambda i: (i, 0)),
            pl.BlockSpec((BE, 128), lambda i: (i, 0)),
            pl.BlockSpec((128, 32), lambda i: (0, 0)),
            pl.BlockSpec((128, 32), lambda i: (0, 0)),
            pl.BlockSpec((128, 64), lambda i: (0, 0)),
            pl.BlockSpec((2, 32), lambda i: (0, 0)),
            pl.BlockSpec((32, 64), lambda i: (0, 0)),
        ],
        out_specs=pl.BlockSpec((BE, 128), lambda i: (i, 0)),
        out_shape=jax.ShapeDtypeStruct((E, 128), jnp.float32),
    )(rd, rs, w1, w2, wx, w9b, watt2)


def _final_body(acc_ref, wpost_ref, bpost_ref, out_ref):
    acc = acc_ref[...]
    agg = acc[:, 0:64] / (acc[:, 64:128] + 1e-20)
    out = jnp.dot(agg, wpost_ref[...], preferred_element_type=jnp.float32)
    out_ref[...] = jnp.maximum(out + bpost_ref[0:1, :], 0.0)


def _final(acc, w_post, b_post):
    grid = (N // BN,)
    return pl.pallas_call(
        _final_body,
        grid=grid,
        in_specs=[
            pl.BlockSpec((BN, 128), lambda i: (i, 0)),
            pl.BlockSpec((64, 32), lambda i: (0, 0)),
            pl.BlockSpec((1, 32), lambda i: (0, 0)),
        ],
        out_specs=pl.BlockSpec((BN, 32), lambda i: (i, 0)),
        out_shape=jax.ShapeDtypeStruct((N, 32), jnp.float32),
    )(acc, w_post, b_post.reshape(1, 32))


def kernel(x, pos, edge_index, w_rppe, b_rppe, w_att, w_post, b_post):
    src = edge_index[0]
    dst = edge_index[1]

    w1 = jnp.zeros((128, D), jnp.float32).at[0:3].set(w_rppe[0:3] + w_rppe[6:9])
    w2 = jnp.zeros((128, D), jnp.float32).at[0:3].set(w_rppe[3:6] - w_rppe[6:9])
    wx = jnp.zeros((128, 2 * D), jnp.float32).at[16:48].set(w_att[0:32])
    watt2 = w_att[32:64]
    w9b = jnp.stack([w_rppe[9], b_rppe])

    table = jnp.concatenate(
        [pos, jnp.zeros((N, 13), jnp.float32), x,
         jnp.zeros((N, 80), jnp.float32)], axis=1)
    rd, rs = _sc_gather(table, src, dst)

    payload = _edge_payload(rd, rs, w1, w2, wx, w9b, watt2)
    acc = _sc_scatter(payload, dst)[0:N]
    return _final(acc, w_post, b_post)

# --- scband reference (transcript-rebuilt; emitter-appended) ---
"""Pipeline reference for scband-randla-net-34849364640184 (READ-ONLY COPY).

The authoritative reference and input builder live on the scoring server;
editing this copy changes nothing except your own understanding.
"""

import jax, jax.numpy as jnp
import numpy as np

N = 100000
E = 1600000
D = 32
D_SLASH = 32


def setup_inputs(seed: int = 0) -> dict:
    key = jax.random.key(seed)
    ks = jax.random.split(key, 8)
    x = jax.random.normal(ks[0], (N, D), dtype=jnp.float32)
    pos = jax.random.uniform(ks[1], (N, 3), dtype=jnp.float32)
    edge_index = jax.random.randint(ks[2], (2, E), 0, N, dtype=jnp.int32)
    w_rppe = jax.random.normal(ks[3], (10, D), dtype=jnp.float32) * 0.1
    b_rppe = jnp.zeros((D,), dtype=jnp.float32)
    w_att = jax.random.normal(ks[4], (2 * D, 2 * D), dtype=jnp.float32) * 0.1
    w_post = jax.random.normal(ks[5], (2 * D, D_SLASH), dtype=jnp.float32) * 0.1
    b_post = jnp.zeros((D_SLASH,), dtype=jnp.float32)
    return {"x": x, "pos": pos, "edge_index": edge_index,
            "w_rppe": w_rppe, "b_rppe": b_rppe, "w_att": w_att,
            "w_post": w_post, "b_post": b_post}


def reference(x, pos, edge_index, w_rppe, b_rppe, w_att, w_post, b_post):
    # RandlaConv (MessagePassing, aggr='add'), PyG convention:
    # edge_index[0] = source j, edge_index[1] = target i
    src = edge_index[0]
    dst = edge_index[1]
    n = x.shape[0]

    pos_i = jnp.take(pos, dst, axis=0)
    pos_j = jnp.take(pos, src, axis=0)
    x_j = jnp.take(x, src, axis=0)

    # relative point position encoding
    delta = pos_i - pos_j
    dist = jnp.linalg.norm(delta, axis=-1, keepdims=True)
    rp = jnp.concatenate([pos_i, pos_j, delta, dist], axis=-1)  # [E, 10]
    r = jax.nn.relu(rp @ w_rppe + b_rppe)  # SharedMLP([10, d])

    f_hat = jnp.concatenate([x_j, r], axis=-1)  # [E, 2d]

    # attentive pooling: segment softmax over destination node index
    logits = f_hat @ w_att  # Linear(2d, 2d, bias=False)
    seg_max = jax.ops.segment_max(logits, dst, num_segments=n)
    seg_max = jnp.where(jnp.isfinite(seg_max), seg_max, 0.0)
    ex = jnp.exp(logits - jnp.take(seg_max, dst, axis=0))
    denom = jax.ops.segment_sum(ex, dst, num_segments=n)
    s_att = ex / (jnp.take(denom, dst, axis=0) + 1e-16)

    msg = s_att * f_hat
    agg = jax.ops.segment_sum(msg, dst, num_segments=n)  # aggr='add' -> [N, 2d]

    out = jax.nn.relu(agg @ w_post + b_post)  # SharedMLP([2d, d_slash])
    return out

if __name__ == "__main__":
    import jax
    _d = setup_inputs()
    print(jax.jit(kernel)(*tuple(_d.values())))

</pallas_src>

<mosaic_0001>
#map = affine_map<(d0, d1) -> (0, 0)>
#map1 = affine_map<(d0, d1) -> (0)>
module attributes {stable_mosaic.version = 14 : i64} {
  func.func @gather_k(%arg0: i32, %arg1: i32, %arg2: memref<100000x128xf32, #tpu.memory_space<hbm>>, %arg3: memref<1600000xi32, #tpu.memory_space<hbm>>, %arg4: memref<1600000xi32, #tpu.memory_space<hbm>>, %arg5: memref<1600000x128xf32, #tpu.memory_space<hbm>>, %arg6: memref<1600000x128xf32, #tpu.memory_space<hbm>>, %arg7: memref<400xi32, #tpu.memory_space<vmem>>, %arg8: memref<400xi32, #tpu.memory_space<vmem>>, %arg9: memref<400x128xf32, #tpu.memory_space<vmem>>, %arg10: memref<400x128xf32, #tpu.memory_space<vmem>>, %arg11: memref<!tpu.dma_semaphore, #tpu.memory_space<semaphore_mem>>) attributes {dimension_semantics = [#tpu.dimension_semantics<core_parallel>, #tpu.dimension_semantics<subcore_parallel>], iteration_bounds = array<i64: 2, 16>, scalar_prefetch = 0 : i64, scratch_operands = 5 : i64, tpu.core_type = #tpu.core_type<sc_vector_subcore>, window_params = [{transform_indices = #map}, {transform_indices = #map1}, {transform_indices = #map1}, {transform_indices = #map}, {transform_indices = #map}]} {
    %mul3A = arith.constant 2 : i32
    %mul3A_0 = arith.muli %arg1, %mul3A : i32
    %add3A = arith.addi %mul3A_0, %arg0 : i32
    %mul3A_1 = arith.constant 50000 : i32
    %mul3A_2 = arith.muli %add3A, %mul3A_1 : i32
    %scan3A = arith.constant 0 : i32
    %scan3A_3 = arith.constant 0 : i32
    %scan3A_4 = arith.constant 125 : i32
    %scan3A_5 = arith.addi %scan3A_3, %scan3A_4 : i32
    %scan3A_6 = arith.constant 1 : i32
    scf.for %scan3A_8 = %scan3A_3 to %scan3A_5 step %scan3A_6  : i32 {
      %mul3A_9 = arith.constant 400 : i32
      %mul3A_10 = arith.muli %scan3A_8, %mul3A_9 : i32
      %add3A_11 = arith.addi %mul3A_2, %mul3A_10 : i32
      "tpu.region"() ({
        %run_scoped3A = tpu.sem_alloc : memref<!tpu.dma_semaphore, #tpu.memory_space<semaphore_mem>>
        %dma_start3A_22 = tpu.memref_slice %arg3[%add3A_11] : memref<1600000xi32, #tpu.memory_space<hbm>> -> memref<400xi32, #tpu.memory_space<hbm>>
        %dma_start3A_23 = tpu.memref_slice %arg3[%add3A_11] : memref<1600000xi32, #tpu.memory_space<hbm>> -> memref<400xi32, #tpu.memory_space<hbm>>
        tpu.enqueue_dma source(%dma_start3A_23 : memref<400xi32, #tpu.memory_space<hbm>>) target(%arg7 : memref<400xi32, #tpu.memory_space<vmem>>) target_semaphore(%run_scoped3A : memref<!tpu.dma_semaphore, #tpu.memory_space<semaphore_mem>>)
        %dma_wait3A_24 = tpu.memref_slice %arg3[%add3A_11] : memref<1600000xi32, #tpu.memory_space<hbm>> -> memref<400xi32, #tpu.memory_space<hbm>>
        %dma_wait3A_25 = tpu.memref_slice %arg3[%add3A_11] : memref<1600000xi32, #tpu.memory_space<hbm>> -> memref<400xi32, #tpu.memory_space<hbm>>
        tpu.wait_dma2 semaphore(%run_scoped3A : memref<!tpu.dma_semaphore, #tpu.memory_space<semaphore_mem>>) src(%dma_wait3A_25 : memref<400xi32, #tpu.memory_space<hbm>>) dst(%arg7 : memref<400xi32, #tpu.memory_space<vmem>>)
        tpu.yield
      }) : () -> ()
      "tpu.region"() ({
        %run_scoped3A = tpu.sem_alloc : memref<!tpu.dma_semaphore, #tpu.memory_space<semaphore_mem>>
        %dma_start3A_22 = tpu.memref_slice %arg4[%add3A_11] : memref<1600000xi32, #tpu.memory_space<hbm>> -> memref<400xi32, #tpu.memory_space<hbm>>
        %dma_start3A_23 = tpu.memref_slice %arg4[%add3A_11] : memref<1600000xi32, #tpu.memory_space<hbm>> -> memref<400xi32, #tpu.memory_space<hbm>>
        tpu.enqueue_dma source(%dma_start3A_23 : memref<400xi32, #tpu.memory_space<hbm>>) target(%arg8 : memref<400xi32, #tpu.memory_space<vmem>>) target_semaphore(%run_scoped3A : memref<!tpu.dma_semaphore, #tpu.memory_space<semaphore_mem>>)
        %dma_wait3A_24 = tpu.memref_slice %arg4[%add3A_11] : memref<1600000xi32, #tpu.memory_space<hbm>> -> memref<400xi32, #tpu.memory_space<hbm>>
        %dma_wait3A_25 = tpu.memref_slice %arg4[%add3A_11] : memref<1600000xi32, #tpu.memory_space<hbm>> -> memref<400xi32, #tpu.memory_space<hbm>>
        tpu.wait_dma2 semaphore(%run_scoped3A : memref<!tpu.dma_semaphore, #tpu.memory_space<semaphore_mem>>) src(%dma_wait3A_25 : memref<400xi32, #tpu.memory_space<hbm>>) dst(%arg8 : memref<400xi32, #tpu.memory_space<vmem>>)
        tpu.yield
      }) : () -> ()
      %dma_start3A = arith.constant 0 : i32
      %dma_start3A_12 = arith.constant 0 : i32
      %dma_start3A_13 = tpu.memref_slice %arg2[%dma_start3A, %dma_start3A_12] : memref<100000x128xf32, #tpu.memory_space<hbm>> -> memref<100000x128xf32, #tpu.memory_space<hbm>>
      tpu.enqueue_indirect_dma source(%dma_start3A_13 : memref<100000x128xf32, #tpu.memory_space<hbm>>) target(%arg9 : memref<400x128xf32, #tpu.memory_space<vmem>>) offsets(%arg7 : memref<400xi32, #tpu.memory_space<vmem>>) semaphore(%arg11 : memref<!tpu.dma_semaphore, #tpu.memory_space<semaphore_mem>>)
      %dma_start3A_14 = arith.constant 0 : i32
      %dma_start3A_15 = arith.constant 0 : i32
      %dma_start3A_16 = tpu.memref_slice %arg2[%dma_start3A_14, %dma_start3A_15] : memref<100000x128xf32, #tpu.memory_space<hbm>> -> memref<100000x128xf32, #tpu.memory_space<hbm>>
      tpu.enqueue_indirect_dma source(%dma_start3A_16 : memref<100000x128xf32, #tpu.memory_space<hbm>>) target(%arg10 : memref<400x128xf32, #tpu.memory_space<vmem>>) offsets(%arg8 : memref<400xi32, #tpu.memory_space<vmem>>) semaphore(%arg11 : memref<!tpu.dma_semaphore, #tpu.memory_space<semaphore_mem>>)
      %dma_wait3A = arith.constant 0 : i32
      %dma_wait3A_17 = arith.constant 0 : i32
      %dma_wait3A_18 = tpu.memref_slice %arg2[%dma_wait3A, %dma_wait3A_17] : memref<100000x128xf32, #tpu.memory_space<hbm>> -> memref<100000x128xf32, #tpu.memory_space<hbm>>
      tpu.wait_indirect_dma semaphore(%arg11 : memref<!tpu.dma_semaphore, #tpu.memory_space<semaphore_mem>>) src(%dma_wait3A_18 : memref<100000x128xf32, #tpu.memory_space<hbm>>) dst(%arg9 : memref<400x128xf32, #tpu.memory_space<vmem>>)
      %dma_wait3A_19 = arith.constant 0 : i32
      %dma_wait3A_20 = arith.constant 0 : i32
      %dma_wait3A_21 = tpu.memref_slice %arg2[%dma_wait3A_19, %dma_wait3A_20] : memref<100000x128xf32, #tpu.memory_space<hbm>> -> memref<100000x128xf32, #tpu.memory_space<hbm>>
      tpu.wait_indirect_dma semaphore(%arg11 : memref<!tpu.dma_semaphore, #tpu.memory_space<semaphore_mem>>) src(%dma_wait3A_21 : memref<100000x128xf32, #tpu.memory_space<hbm>>) dst(%arg10 : memref<400x128xf32, #tpu.memory_space<vmem>>)
      "tpu.region"() ({
        %run_scoped3A = tpu.sem_alloc : memref<!tpu.dma_semaphore, #tpu.memory_space<semaphore_mem>>
        %dma_start3A_22 = arith.constant 0 : i32
        %dma_start3A_23 = tpu.memref_slice %arg6[%add3A_11, %dma_start3A_22] : memref<1600000x128xf32, #tpu.memory_space<hbm>> -> memref<400x128xf32, #tpu.memory_space<hbm>>
        %dma_start3A_24 = arith.constant 0 : i32
        %dma_start3A_25 = tpu.memref_slice %arg6[%add3A_11, %dma_start3A_24] : memref<1600000x128xf32, #tpu.memory_space<hbm>> -> memref<400x128xf32, #tpu.memory_space<hbm>>
        tpu.enqueue_dma source(%arg9 : memref<400x128xf32, #tpu.memory_space<vmem>>) target(%dma_start3A_25 : memref<400x128xf32, #tpu.memory_space<hbm>>) target_semaphore(%run_scoped3A : memref<!tpu.dma_semaphore, #tpu.memory_space<semaphore_mem>>)
        %dma_wait3A_26 = arith.constant 0 : i32
        %dma_wait3A_27 = tpu.memref_slice %arg6[%add3A_11, %dma_wait3A_26] : memref<1600000x128xf32, #tpu.memory_space<hbm>> -> memref<400x128xf32, #tpu.memory_space<hbm>>
        %dma_wait3A_28 = arith.constant 0 : i32
        %dma_wait3A_29 = tpu.memref_slice %arg6[%add3A_11, %dma_wait3A_28] : memref<1600000x128xf32, #tpu.memory_space<hbm>> -> memref<400x128xf32, #tpu.memory_space<hbm>>
        tpu.wait_dma2 semaphore(%run_scoped3A : memref<!tpu.dma_semaphore, #tpu.memory_space<semaphore_mem>>) src(%arg9 : memref<400x128xf32, #tpu.memory_space<vmem>>) dst(%dma_wait3A_29 : memref<400x128xf32, #tpu.memory_space<hbm>>)
        tpu.yield
      }) : () -> ()
      "tpu.region"() ({
        %run_scoped3A = tpu.sem_alloc : memref<!tpu.dma_semaphore, #tpu.memory_space<semaphore_mem>>
        %dma_start3A_22 = arith.constant 0 : i32
        %dma_start3A_23 = tpu.memref_slice %arg5[%add3A_11, %dma_start3A_22] : memref<1600000x128xf32, #tpu.memory_space<hbm>> -> memref<400x128xf32, #tpu.memory_space<hbm>>
        %dma_start3A_24 = arith.constant 0 : i32
        %dma_start3A_25 = tpu.memref_slice %arg5[%add3A_11, %dma_start3A_24] : memref<1600000x128xf32, #tpu.memory_space<hbm>> -> memref<400x128xf32, #tpu.memory_space<hbm>>
        tpu.enqueue_dma source(%arg10 : memref<400x128xf32, #tpu.memory_space<vmem>>) target(%dma_start3A_25 : memref<400x128xf32, #tpu.memory_space<hbm>>) target_semaphore(%run_scoped3A : memref<!tpu.dma_semaphore, #tpu.memory_space<semaphore_mem>>)
        %dma_wait3A_26 = arith.constant 0 : i32
        %dma_wait3A_27 = tpu.memref_slice %arg5[%add3A_11, %dma_wait3A_26] : memref<1600000x128xf32, #tpu.memory_space<hbm>> -> memref<400x128xf32, #tpu.memory_space<hbm>>
        %dma_wait3A_28 = arith.constant 0 : i32
        %dma_wait3A_29 = tpu.memref_slice %arg5[%add3A_11, %dma_wait3A_28] : memref<1600000x128xf32, #tpu.memory_space<hbm>> -> memref<400x128xf32, #tpu.memory_space<hbm>>
        tpu.wait_dma2 semaphore(%run_scoped3A : memref<!tpu.dma_semaphore, #tpu.memory_space<semaphore_mem>>) src(%arg10 : memref<400x128xf32, #tpu.memory_space<vmem>>) dst(%dma_wait3A_29 : memref<400x128xf32, #tpu.memory_space<hbm>>)
        tpu.yield
      }) : () -> ()
    }
    %scan3A_7 = arith.constant 125 : i32
    return
  }
}

#map = affine_map<(d0, d1) -> (0, 0)>
#map1 = affine_map<(d0, d1) -> (0)>
module attributes {stable_mosaic.version = 14 : i64} {
  func.func @scatter_k(%arg0: i32, %arg1: i32, %arg2: memref<1600000x128xf32, #tpu.memory_space<hbm>>, %arg3: memref<1600000xi32, #tpu.memory_space<hbm>>, %arg4: memref<102400x128xf32, #tpu.memory_space<hbm>>, %arg5: memref<2000xi32, #tpu.memory_space<vmem>>, %arg6: memref<128xi32, #tpu.memory_space<vmem>>, %arg7: memref<128xi32, #tpu.memory_space<vmem>>, %arg8: memref<16xi32, #tpu.memory_space<vmem>>, %arg9: memref<128x128xf32, #tpu.memory_space<vmem>>, %arg10: memref<12816x128xf32, #tpu.memory_space<vmem_shared>>, %arg11: memref<!tpu.dma_semaphore, #tpu.memory_space<semaphore_mem>>, %arg12: memref<!tpu.dma_semaphore, #tpu.memory_space<semaphore_mem>>) attributes {dimension_semantics = [#tpu.dimension_semantics<core_parallel>, #tpu.dimension_semantics<subcore_parallel>], iteration_bounds = array<i64: 2, 16>, scalar_prefetch = 0 : i64, scratch_operands = 8 : i64, tpu.core_type = #tpu.core_type<sc_vector_subcore>, window_params = [{transform_indices = #map}, {transform_indices = #map1}, {transform_indices = #map}]} {
    %iota3A = tpu.iota {dimensions = array<i32: 0>} : vector<16xi32>
    %broadcast_in_dim3A = arith.constant 12800 : i32
    %broadcast_in_dim3A_0 = vector.broadcast %broadcast_in_dim3A : i32 to vector<16xi32>
    %scan3A = arith.constant 0 : i32
    %scan3A_1 = arith.constant 0 : i32
    %scan3A_2 = arith.constant 4 : i32
    %scan3A_3 = arith.addi %scan3A_1, %scan3A_2 : i32
    %scan3A_4 = arith.constant 1 : i32
    %scan3A_5 = scf.for %scan3A_7 = %scan3A_1 to %scan3A_3 step %scan3A_4 iter_args(%scan3A_8 = %scan3A) -> (i32)  : i32 {
      %mul3A = arith.constant 2 : i32
      %mul3A_9 = arith.muli %scan3A_7, %mul3A : i32
      %add3A = arith.addi %mul3A_9, %arg0 : i32
      %mul3A_10 = arith.constant 12800 : i32
      %mul3A_11 = arith.muli %add3A, %mul3A_10 : i32
      %broadcast_in_dim3A_12 = arith.constant 0.000000e+00 : f32
      %broadcast_in_dim3A_13 = vector.broadcast %broadcast_in_dim3A_12 : f32 to vector<16xf32>
      %scan3A_14 = arith.constant 0 : i32
      %scan3A_15 = arith.constant 0 : i32
      %scan3A_16 = arith.constant 128 : i32
      %scan3A_17 = arith.addi %scan3A_15, %scan3A_16 : i32
      %scan3A_18 = arith.constant 1 : i32
      %scan3A_19 = scf.for %scan3A_324 = %scan3A_15 to %scan3A_17 step %scan3A_18 iter_args(%scan3A_325 = %scan3A_14) -> (i32)  : i32 {
        %swap3A_326 = arith.index_cast %scan3A_324 : i32 to index
        %swap3A_327 = arith.constant 0 : index
        %swap3A_328 = tpu.vector_load %arg9[%swap3A_326, %swap3A_327] {strides = array<i32>} : memref<128x128xf32, #tpu.memory_space<vmem>>, vector<1x16xf32>,
        %swap3A_329 = vector.shape_cast %swap3A_328 : vector<1x16xf32> to vector<16xf32>
        %swap3A_330 = vector.shape_cast %broadcast_in_dim3A_13 : vector<16xf32> to vector<1x16xf32>
        tpu.vector_store %arg9[%swap3A_326, %swap3A_327], %swap3A_330 {strides = array<i32>} : memref<128x128xf32, #tpu.memory_space<vmem>>, vector<1x16xf32>,
        %swap3A_331 = arith.index_cast %scan3A_324 : i32 to index
        %swap3A_332 = arith.constant 16 : index
        %swap3A_333 = tpu.vector_load %arg9[%swap3A_331, %swap3A_332] {strides = array<i32>} : memref<128x128xf32, #tpu.memory_space<vmem>>, vector<1x16xf32>,
        %swap3A_334 = vector.shape_cast %swap3A_333 : vector<1x16xf32> to vector<16xf32>
        %swap3A_335 = vector.shape_cast %broadcast_in_dim3A_13 : vector<16xf32> to vector<1x16xf32>
        tpu.vector_store %arg9[%swap3A_331, %swap3A_332], %swap3A_335 {strides = array<i32>} : memref<128x128xf32, #tpu.memory_space<vmem>>, vector<1x16xf32>,
        %swap3A_336 = arith.index_cast %scan3A_324 : i32 to index
        %swap3A_337 = arith.constant 32 : index
        %swap3A_338 = tpu.vector_load %arg9[%swap3A_336, %swap3A_337] {strides = array<i32>} : memref<128x128xf32, #tpu.memory_space<vmem>>, vector<1x16xf32>,
        %swap3A_339 = vector.shape_cast %swap3A_338 : vector<1x16xf32> to vector<16xf32>
        %swap3A_340 = vector.shape_cast %broadcast_in_dim3A_13 : vector<16xf32> to vector<1x16xf32>
        tpu.vector_store %arg9[%swap3A_336, %swap3A_337], %swap3A_340 {strides = array<i32>} : memref<128x128xf32, #tpu.memory_space<vmem>>, vector<1x16xf32>,
        %swap3A_341 = arith.index_cast %scan3A_324 : i32 to index
        %swap3A_342 = arith.constant 48 : index
        %swap3A_343 = tpu.vector_load %arg9[%swap3A_341, %swap3A_342] {strides = array<i32>} : memref<128x128xf32, #tpu.memory_space<vmem>>, vector<1x16xf32>,
        %swap3A_344 = vector.shape_cast %swap3A_343 : vector<1x16xf32> to vector<16xf32>
        %swap3A_345 = vector.shape_cast %broadcast_in_dim3A_13 : vector<16xf32> to vector<1x16xf32>
        tpu.vector_store %arg9[%swap3A_341, %swap3A_342], %swap3A_345 {strides = array<i32>} : memref<128x128xf32, #tpu.memory_space<vmem>>, vector<1x16xf32>,
        %swap3A_346 = arith.index_cast %scan3A_324 : i32 to index
        %swap3A_347 = arith.constant 64 : index
        %swap3A_348 = tpu.vector_load %arg9[%swap3A_346, %swap3A_347] {strides = array<i32>} : memref<128x128xf32, #tpu.memory_space<vmem>>, vector<1x16xf32>,
        %swap3A_349 = vector.shape_cast %swap3A_348 : vector<1x16xf32> to vector<16xf32>
        %swap3A_350 = vector.shape_cast %broadcast_in_dim3A_13 : vector<16xf32> to vector<1x16xf32>
        tpu.vector_store %arg9[%swap3A_346, %swap3A_347], %swap3A_350 {strides = array<i32>} : memref<128x128xf32, #tpu.memory_space<vmem>>, vector<1x16xf32>,
        %swap3A_351 = arith.index_cast %scan3A_324 : i32 to index
        %swap3A_352 = arith.constant 80 : index
        %swap3A_353 = tpu.vector_load %arg9[%swap3A_351, %swap3A_352] {strides = array<i32>} : memref<128x128xf32, #tpu.memory_space<vmem>>, vector<1x16xf32>,
        %swap3A_354 = vector.shape_cast %swap3A_353 : vector<1x16xf32> to vector<16xf32>
        %swap3A_355 = vector.shape_cast %broadcast_in_dim3A_13 : vector<16xf32> to vector<1x16xf32>
        tpu.vector_store %arg9[%swap3A_351, %swap3A_352], %swap3A_355 {strides = array<i32>} : memref<128x128xf32, #tpu.memory_space<vmem>>, vector<1x16xf32>,
        %swap3A_356 = arith.index_cast %scan3A_324 : i32 to index
        %swap3A_357 = arith.constant 96 : index
        %swap3A_358 = tpu.vector_load %arg9[%swap3A_356, %swap3A_357] {strides = array<i32>} : memref<128x128xf32, #tpu.memory_space<vmem>>, vector<1x16xf32>,
        %swap3A_359 = vector.shape_cast %swap3A_358 : vector<1x16xf32> to vector<16xf32>
        %swap3A_360 = vector.shape_cast %broadcast_in_dim3A_13 : vector<16xf32> to vector<1x16xf32>
        tpu.vector_store %arg9[%swap3A_356, %swap3A_357], %swap3A_360 {strides = array<i32>} : memref<128x128xf32, #tpu.memory_space<vmem>>, vector<1x16xf32>,
        %swap3A_361 = arith.index_cast %scan3A_324 : i32 to index
        %swap3A_362 = arith.constant 112 : index
        %swap3A_363 = tpu.vector_load %arg9[%swap3A_361, %swap3A_362] {strides = array<i32>} : memref<128x128xf32, #tpu.memory_space<vmem>>, vector<1x16xf32>,
        %swap3A_364 = vector.shape_cast %swap3A_363 : vector<1x16xf32> to vector<16xf32>
        %swap3A_365 = vector.shape_cast %broadcast_in_dim3A_13 : vector<16xf32> to vector<1x16xf32>
        tpu.vector_store %arg9[%swap3A_361, %swap3A_362], %swap3A_365 {strides = array<i32>} : memref<128x128xf32, #tpu.memory_space<vmem>>, vector<1x16xf32>,
        %scan3A_366 = arith.constant 0 : i32
        scf.yield %scan3A_366 : i32
      }
      %scan3A_20 = arith.constant 128 : i32
      %mul3A_21 = arith.constant 800 : i32
      %mul3A_22 = arith.muli %arg1, %mul3A_21 : i32
      %add3A_23 = arith.constant 0 : i32
      %add3A_24 = arith.addi %mul3A_22, %add3A_23 : i32
      "tpu.region"() ({
        %run_scoped3A = tpu.sem_alloc : memref<!tpu.dma_semaphore, #tpu.memory_space<semaphore_mem>>
        %dma_start3A_324 = arith.constant 0 : i32
        %dma_start3A_325 = tpu.memref_slice %arg10[%add3A_24, %dma_start3A_324] : memref<12816x128xf32, #tpu.memory_space<vmem_shared>> -> memref<128x128xf32, #tpu.memory_space<vmem_shared>>
        %dma_start3A_326 = arith.constant 0 : i32
        %dma_start3A_327 = tpu.memref_slice %arg10[%add3A_24, %dma_start3A_326] : memref<12816x128xf32, #tpu.memory_space<vmem_shared>> -> memref<128x128xf32, #tpu.memory_space<vmem_shared>>
        tpu.enqueue_dma source(%arg9 : memref<128x128xf32, #tpu.memory_space<vmem>>) target(%dma_start3A_327 : memref<128x128xf32, #tpu.memory_space<vmem_shared>>) target_semaphore(%run_scoped3A : memref<!tpu.dma_semaphore, #tpu.memory_space<semaphore_mem>>)
        %dma_wait3A_328 = arith.constant 0 : i32
        %dma_wait3A_329 = tpu.memref_slice %arg10[%add3A_24, %dma_wait3A_328] : memref<12816x128xf32, #tpu.memory_space<vmem_shared>> -> memref<128x128xf32, #tpu.memory_space<vmem_shared>>
        %dma_wait3A_330 = arith.constant 0 : i32
        %dma_wait3A_331 = tpu.memref_slice %arg10[%add3A_24, %dma_wait3A_330] : memref<12816x128xf32, #tpu.memory_space<vmem_shared>> -> memref<128x128xf32, #tpu.memory_space<vmem_shared>>
        tpu.wait_dma2 semaphore(%run_scoped3A : memref<!tpu.dma_semaphore, #tpu.memory_space<semaphore_mem>>) src(%arg9 : memref<128x128xf32, #tpu.memory_space<vmem>>) dst(%dma_wait3A_331 : memref<128x128xf32, #tpu.memory_space<vmem_shared>>)
        tpu.yield
      }) : () -> ()
      %mul3A_25 = arith.constant 800 : i32
      %mul3A_26 = arith.muli %arg1, %mul3A_25 : i32
      %add3A_27 = arith.constant 128 : i32
      %add3A_28 = arith.addi %mul3A_26, %add3A_27 : i32
      "tpu.region"() ({
        %run_scoped3A = tpu.sem_alloc : memref<!tpu.dma_semaphore, #tpu.memory_space<semaphore_mem>>
        %dma_start3A_324 = arith.constant 0 : i32
        %dma_start3A_325 = tpu.memref_slice %arg10[%add3A_28, %dma_start3A_324] : memref<12816x128xf32, #tpu.memory_space<vmem_shared>> -> memref<128x128xf32, #tpu.memory_space<vmem_shared>>
        %dma_start3A_326 = arith.constant 0 : i32
        %dma_start3A_327 = tpu.memref_slice %arg10[%add3A_28, %dma_start3A_326] : memref<12816x128xf32, #tpu.memory_space<vmem_shared>> -> memref<128x128xf32, #tpu.memory_space<vmem_shared>>
        tpu.enqueue_dma source(%arg9 : memref<128x128xf32, #tpu.memory_space<vmem>>) target(%dma_start3A_327 : memref<128x128xf32, #tpu.memory_space<vmem_shared>>) target_semaphore(%run_scoped3A : memref<!tpu.dma_semaphore, #tpu.memory_space<semaphore_mem>>)
        %dma_wait3A_328 = arith.constant 0 : i32
        %dma_wait3A_329 = tpu.memref_slice %arg10[%add3A_28, %dma_wait3A_328] : memref<12816x128xf32, #tpu.memory_space<vmem_shared>> -> memref<128x128xf32, #tpu.memory_space<vmem_shared>>
        %dma_wait3A_330 = arith.constant 0 : i32
        %dma_wait3A_331 = tpu.memref_slice %arg10[%add3A_28, %dma_wait3A_330] : memref<12816x128xf32, #tpu.memory_space<vmem_shared>> -> memref<128x128xf32, #tpu.memory_space<vmem_shared>>
        tpu.wait_dma2 semaphore(%run_scoped3A : memref<!tpu.dma_semaphore, #tpu.memory_space<semaphore_mem>>) src(%arg9 : memref<128x128xf32, #tpu.memory_space<vmem>>) dst(%dma_wait3A_331 : memref<128x128xf32, #tpu.memory_space<vmem_shared>>)
        tpu.yield
      }) : () -> ()
      %mul3A_29 = arith.constant 800 : i32
      %mul3A_30 = arith.muli %arg1, %mul3A_29 : i32
      %add3A_31 = arith.constant 256 : i32
      %add3A_32 = arith.addi %mul3A_30, %add3A_31 : i32
      "tpu.region"() ({
        %run_scoped3A = tpu.sem_alloc : memref<!tpu.dma_semaphore, #tpu.memory_space<semaphore_mem>>
        %dma_start3A_324 = arith.constant 0 : i32
        %dma_start3A_325 = tpu.memref_slice %arg10[%add3A_32, %dma_start3A_324] : memref<12816x128xf32, #tpu.memory_space<vmem_shared>> -> memref<128x128xf32, #tpu.memory_space<vmem_shared>>
        %dma_start3A_326 = arith.constant 0 : i32
        %dma_start3A_327 = tpu.memref_slice %arg10[%add3A_32, %dma_start3A_326] : memref<12816x128xf32, #tpu.memory_space<vmem_shared>> -> memref<128x128xf32, #tpu.memory_space<vmem_shared>>
        tpu.enqueue_dma source(%arg9 : memref<128x128xf32, #tpu.memory_space<vmem>>) target(%dma_start3A_327 : memref<128x128xf32, #tpu.memory_space<vmem_shared>>) target_semaphore(%run_scoped3A : memref<!tpu.dma_semaphore, #tpu.memory_space<semaphore_mem>>)
        %dma_wait3A_328 = arith.constant 0 : i32
        %dma_wait3A_329 = tpu.memref_slice %arg10[%add3A_32, %dma_wait3A_328] : memref<12816x128xf32, #tpu.memory_space<vmem_shared>> -> memref<128x128xf32, #tpu.memory_space<vmem_shared>>
        %dma_wait3A_330 = arith.constant 0 : i32
        %dma_wait3A_331 = tpu.memref_slice %arg10[%add3A_32, %dma_wait3A_330] : memref<12816x128xf32, #tpu.memory_space<vmem_shared>> -> memref<128x128xf32, #tpu.memory_space<vmem_shared>>
        tpu.wait_dma2 semaphore(%run_scoped3A : memref<!tpu.dma_semaphore, #tpu.memory_space<semaphore_mem>>) src(%arg9 : memref<128x128xf32, #tpu.memory_space<vmem>>) dst(%dma_wait3A_331 : memref<128x128xf32, #tpu.memory_space<vmem_shared>>)
        tpu.yield
      }) : () -> ()
      %mul3A_33 = arith.constant 800 : i32
      %mul3A_34 = arith.muli %arg1, %mul3A_33 : i32
      %add3A_35 = arith.constant 384 : i32
      %add3A_36 = arith.addi %mul3A_34, %add3A_35 : i32
      "tpu.region"() ({
        %run_scoped3A = tpu.sem_alloc : memref<!tpu.dma_semaphore, #tpu.memory_space<semaphore_mem>>
        %dma_start3A_324 = arith.constant 0 : i32
        %dma_start3A_325 = tpu.memref_slice %arg10[%add3A_36, %dma_start3A_324] : memref<12816x128xf32, #tpu.memory_space<vmem_shared>> -> memref<128x128xf32, #tpu.memory_space<vmem_shared>>
        %dma_start3A_326 = arith.constant 0 : i32
        %dma_start3A_327 = tpu.memref_slice %arg10[%add3A_36, %dma_start3A_326] : memref<12816x128xf32, #tpu.memory_space<vmem_shared>> -> memref<128x128xf32, #tpu.memory_space<vmem_shared>>
        tpu.enqueue_dma source(%arg9 : memref<128x128xf32, #tpu.memory_space<vmem>>) target(%dma_start3A_327 : memref<128x128xf32, #tpu.memory_space<vmem_shared>>) target_semaphore(%run_scoped3A : memref<!tpu.dma_semaphore, #tpu.memory_space<semaphore_mem>>)
        %dma_wait3A_328 = arith.constant 0 : i32
        %dma_wait3A_329 = tpu.memref_slice %arg10[%add3A_36, %dma_wait3A_328] : memref<12816x128xf32, #tpu.memory_space<vmem_shared>> -> memref<128x128xf32, #tpu.memory_space<vmem_shared>>
        %dma_wait3A_330 = arith.constant 0 : i32
        %dma_wait3A_331 = tpu.memref_slice %arg10[%add3A_36, %dma_wait3A_330] : memref<12816x128xf32, #tpu.memory_space<vmem_shared>> -> memref<128x128xf32, #tpu.memory_space<vmem_shared>>
        tpu.wait_dma2 semaphore(%run_scoped3A : memref<!tpu.dma_semaphore, #tpu.memory_space<semaphore_mem>>) src(%arg9 : memref<128x128xf32, #tpu.memory_space<vmem>>) dst(%dma_wait3A_331 : memref<128x128xf32, #tpu.memory_space<vmem_shared>>)
        tpu.yield
      }) : () -> ()
      %mul3A_37 = arith.constant 800 : i32
      %mul3A_38 = arith.muli %arg1, %mul3A_37 : i32
      %add3A_39 = arith.constant 512 : i32
      %add3A_40 = arith.addi %mul3A_38, %add3A_39 : i32
      "tpu.region"() ({
        %run_scoped3A = tpu.sem_alloc : memref<!tpu.dma_semaphore, #tpu.memory_space<semaphore_mem>>
        %dma_start3A_324 = arith.constant 0 : i32
        %dma_start3A_325 = tpu.memref_slice %arg10[%add3A_40, %dma_start3A_324] : memref<12816x128xf32, #tpu.memory_space<vmem_shared>> -> memref<128x128xf32, #tpu.memory_space<vmem_shared>>
        %dma_start3A_326 = arith.constant 0 : i32
        %dma_start3A_327 = tpu.memref_slice %arg10[%add3A_40, %dma_start3A_326] : memref<12816x128xf32, #tpu.memory_space<vmem_shared>> -> memref<128x128xf32, #tpu.memory_space<vmem_shared>>
        tpu.enqueue_dma source(%arg9 : memref<128x128xf32, #tpu.memory_space<vmem>>) target(%dma_start3A_327 : memref<128x128xf32, #tpu.memory_space<vmem_shared>>) target_semaphore(%run_scoped3A : memref<!tpu.dma_semaphore, #tpu.memory_space<semaphore_mem>>)
        %dma_wait3A_328 = arith.constant 0 : i32
        %dma_wait3A_329 = tpu.memref_slice %arg10[%add3A_40, %dma_wait3A_328] : memref<12816x128xf32, #tpu.memory_space<vmem_shared>> -> memref<128x128xf32, #tpu.memory_space<vmem_shared>>
        %dma_wait3A_330 = arith.constant 0 : i32
        %dma_wait3A_331 = tpu.memref_slice %arg10[%add3A_40, %dma_wait3A_330] : memref<12816x128xf32, #tpu.memory_space<vmem_shared>> -> memref<128x128xf32, #tpu.memory_space<vmem_shared>>
        tpu.wait_dma2 semaphore(%run_scoped3A : memref<!tpu.dma_semaphore, #tpu.memory_space<semaphore_mem>>) src(%arg9 : memref<128x128xf32, #tpu.memory_space<vmem>>) dst(%dma_wait3A_331 : memref<128x128xf32, #tpu.memory_space<vmem_shared>>)
        tpu.yield
      }) : () -> ()
      %mul3A_41 = arith.constant 800 : i32
      %mul3A_42 = arith.muli %arg1, %mul3A_41 : i32
      %add3A_43 = arith.constant 640 : i32
      %add3A_44 = arith.addi %mul3A_42, %add3A_43 : i32
      "tpu.region"() ({
        %run_scoped3A = tpu.sem_alloc : memref<!tpu.dma_semaphore, #tpu.memory_space<semaphore_mem>>
        %dma_start3A_324 = arith.constant 0 : i32
        %dma_start3A_325 = tpu.memref_slice %arg10[%add3A_44, %dma_start3A_324] : memref<12816x128xf32, #tpu.memory_space<vmem_shared>> -> memref<128x128xf32, #tpu.memory_space<vmem_shared>>
        %dma_start3A_326 = arith.constant 0 : i32
        %dma_start3A_327 = tpu.memref_slice %arg10[%add3A_44, %dma_start3A_326] : memref<12816x128xf32, #tpu.memory_space<vmem_shared>> -> memref<128x128xf32, #tpu.memory_space<vmem_shared>>
        tpu.enqueue_dma source(%arg9 : memref<128x128xf32, #tpu.memory_space<vmem>>) target(%dma_start3A_327 : memref<128x128xf32, #tpu.memory_space<vmem_shared>>) target_semaphore(%run_scoped3A : memref<!tpu.dma_semaphore, #tpu.memory_space<semaphore_mem>>)
        %dma_wait3A_328 = arith.constant 0 : i32
        %dma_wait3A_329 = tpu.memref_slice %arg10[%add3A_44, %dma_wait3A_328] : memref<12816x128xf32, #tpu.memory_space<vmem_shared>> -> memref<128x128xf32, #tpu.memory_space<vmem_shared>>
        %dma_wait3A_330 = arith.constant 0 : i32
        %dma_wait3A_331 = tpu.memref_slice %arg10[%add3A_44, %dma_wait3A_330] : memref<12816x128xf32, #tpu.memory_space<vmem_shared>> -> memref<128x128xf32, #tpu.memory_space<vmem_shared>>
        tpu.wait_dma2 semaphore(%run_scoped3A : memref<!tpu.dma_semaphore, #tpu.memory_space<semaphore_mem>>) src(%arg9 : memref<128x128xf32, #tpu.memory_space<vmem>>) dst(%dma_wait3A_331 : memref<128x128xf32, #tpu.memory_space<vmem_shared>>)
        tpu.yield
      }) : () -> ()
      %mul3A_45 = arith.constant 800 : i32
      %mul3A_46 = arith.muli %arg1, %mul3A_45 : i32
      %add3A_47 = arith.constant 768 : i32
      %add3A_48 = arith.addi %mul3A_46, %add3A_47 : i32
      "tpu.region"() ({
        %run_scoped3A = tpu.sem_alloc : memref<!tpu.dma_semaphore, #tpu.memory_space<semaphore_mem>>
        %dma_start3A_324 = arith.constant 0 : i32
        %dma_start3A_325 = arith.constant 0 : i32
        %dma_start3A_326 = tpu.memref_slice %arg9[%dma_start3A_324, %dma_start3A_325] : memref<128x128xf32, #tpu.memory_space<vmem>> -> memref<32x128xf32, #tpu.memory_space<vmem>>
        %dma_start3A_327 = arith.constant 0 : i32
        %dma_start3A_328 = tpu.memref_slice %arg10[%add3A_48, %dma_start3A_327] : memref<12816x128xf32, #tpu.memory_space<vmem_shared>> -> memref<32x128xf32, #tpu.memory_space<vmem_shared>>
        %dma_start3A_329 = arith.constant 0 : i32
        %dma_start3A_330 = tpu.memref_slice %arg10[%add3A_48, %dma_start3A_329] : memref<12816x128xf32, #tpu.memory_space<vmem_shared>> -> memref<32x128xf32, #tpu.memory_space<vmem_shared>>
        %dma_start3A_331 = arith.constant 0 : i32
        %dma_start3A_332 = arith.constant 0 : i32
        %dma_start3A_333 = tpu.memref_slice %arg9[%dma_start3A_331, %dma_start3A_332] : memref<128x128xf32, #tpu.memory_space<vmem>> -> memref<32x128xf32, #tpu.memory_space<vmem>>
        tpu.enqueue_dma source(%dma_start3A_333 : memref<32x128xf32, #tpu.memory_space<vmem>>) target(%dma_start3A_330 : memref<32x128xf32, #tpu.memory_space<vmem_shared>>) target_semaphore(%run_scoped3A : memref<!tpu.dma_semaphore, #tpu.memory_space<semaphore_mem>>)
        %dma_wait3A_334 = arith.constant 0 : i32
        %dma_wait3A_335 = arith.constant 0 : i32
        %dma_wait3A_336 = tpu.memref_slice %arg9[%dma_wait3A_334, %dma_wait3A_335] : memref<128x128xf32, #tpu.memory_space<vmem>> -> memref<32x128xf32, #tpu.memory_space<vmem>>
        %dma_wait3A_337 = arith.constant 0 : i32
        %dma_wait3A_338 = tpu.memref_slice %arg10[%add3A_48, %dma_wait3A_337] : memref<12816x128xf32, #tpu.memory_space<vmem_shared>> -> memref<32x128xf32, #tpu.memory_space<vmem_shared>>
        %dma_wait3A_339 = arith.constant 0 : i32
        %dma_wait3A_340 = tpu.memref_slice %arg10[%add3A_48, %dma_wait3A_339] : memref<12816x128xf32, #tpu.memory_space<vmem_shared>> -> memref<32x128xf32, #tpu.memory_space<vmem_shared>>
        %dma_wait3A_341 = arith.constant 0 : i32
        %dma_wait3A_342 = arith.constant 0 : i32
        %dma_wait3A_343 = tpu.memref_slice %arg9[%dma_wait3A_341, %dma_wait3A_342] : memref<128x128xf32, #tpu.memory_space<vmem>> -> memref<32x128xf32, #tpu.memory_space<vmem>>
        tpu.wait_dma2 semaphore(%run_scoped3A : memref<!tpu.dma_semaphore, #tpu.memory_space<semaphore_mem>>) src(%dma_wait3A_343 : memref<32x128xf32, #tpu.memory_space<vmem>>) dst(%dma_wait3A_340 : memref<32x128xf32, #tpu.memory_space<vmem_shared>>)
        tpu.yield
      }) : () -> ()
      %eq3A = arith.constant 0 : i32
      %eq3A_49 = arith.cmpi eq, %arg1, %eq3A : i32
      %convert_element_type3A = arith.extui %eq3A_49 : i1 to i32
      %cond3A = arith.constant 0 : i32
      %cond3A_50 = arith.cmpi ne, %convert_element_type3A, %cond3A : i32
      scf.if %cond3A_50 {
        "tpu.region"() ({
          %run_scoped3A = tpu.sem_alloc : memref<!tpu.dma_semaphore, #tpu.memory_space<semaphore_mem>>
          %dma_start3A_324 = arith.constant 0 : i32
          %dma_start3A_325 = arith.constant 0 : i32
          %dma_start3A_326 = tpu.memref_slice %arg9[%dma_start3A_324, %dma_start3A_325] : memref<128x128xf32, #tpu.memory_space<vmem>> -> memref<16x128xf32, #tpu.memory_space<vmem>>
          %dma_start3A_327 = arith.constant 12800 : i32
          %dma_start3A_328 = arith.constant 0 : i32
          %dma_start3A_329 = tpu.memref_slice %arg10[%dma_start3A_327, %dma_start3A_328] : memref<12816x128xf32, #tpu.memory_space<vmem_shared>> -> memref<16x128xf32, #tpu.memory_space<vmem_shared>>
          %dma_start3A_330 = arith.constant 12800 : i32
          %dma_start3A_331 = arith.constant 0 : i32
          %dma_start3A_332 = tpu.memref_slice %arg10[%dma_start3A_330, %dma_start3A_331] : memref<12816x128xf32, #tpu.memory_space<vmem_shared>> -> memref<16x128xf32, #tpu.memory_space<vmem_shared>>
          %dma_start3A_333 = arith.constant 0 : i32
          %dma_start3A_334 = arith.constant 0 : i32
          %dma_start3A_335 = tpu.memref_slice %arg9[%dma_start3A_333, %dma_start3A_334] : memref<128x128xf32, #tpu.memory_space<vmem>> -> memref<16x128xf32, #tpu.memory_space<vmem>>
          tpu.enqueue_dma source(%dma_start3A_335 : memref<16x128xf32, #tpu.memory_space<vmem>>) target(%dma_start3A_332 : memref<16x128xf32, #tpu.memory_space<vmem_shared>>) target_semaphore(%run_scoped3A : memref<!tpu.dma_semaphore, #tpu.memory_space<semaphore_mem>>)
          %dma_wait3A_336 = arith.constant 0 : i32
          %dma_wait3A_337 = arith.constant 0 : i32
          %dma_wait3A_338 = tpu.memref_slice %arg9[%dma_wait3A_336, %dma_wait3A_337] : memref<128x128xf32, #tpu.memory_space<vmem>> -> memref<16x128xf32, #tpu.memory_space<vmem>>
          %dma_wait3A_339 = arith.constant 12800 : i32
          %dma_wait3A_340 = arith.constant 0 : i32
          %dma_wait3A_341 = tpu.memref_slice %arg10[%dma_wait3A_339, %dma_wait3A_340] : memref<12816x128xf32, #tpu.memory_space<vmem_shared>> -> memref<16x128xf32, #tpu.memory_space<vmem_shared>>
          %dma_wait3A_342 = arith.constant 12800 : i32
          %dma_wait3A_343 = arith.constant 0 : i32
          %dma_wait3A_344 = tpu.memref_slice %arg10[%dma_wait3A_342, %dma_wait3A_343] : memref<12816x128xf32, #tpu.memory_space<vmem_shared>> -> memref<16x128xf32, #tpu.memory_space<vmem_shared>>
          %dma_wait3A_345 = arith.constant 0 : i32
          %dma_wait3A_346 = arith.constant 0 : i32
          %dma_wait3A_347 = tpu.memref_slice %arg9[%dma_wait3A_345, %dma_wait3A_346] : memref<128x128xf32, #tpu.memory_space<vmem>> -> memref<16x128xf32, #tpu.memory_space<vmem>>
          tpu.wait_dma2 semaphore(%run_scoped3A : memref<!tpu.dma_semaphore, #tpu.memory_space<semaphore_mem>>) src(%dma_wait3A_347 : memref<16x128xf32, #tpu.memory_space<vmem>>) dst(%dma_wait3A_344 : memref<16x128xf32, #tpu.memory_space<vmem_shared>>)
          tpu.yield
        }) : () -> ()
      } else {
      }
      %swap3A = arith.constant 0 : index
      %swap3A_51 = tpu.vector_load %arg6[%swap3A] {strides = array<i32>} : memref<128xi32, #tpu.memory_space<vmem>>, vector<16xi32>,
      %swap3A_52 = vector.shape_cast %swap3A_51 : vector<16xi32> to vector<16xi32>
      %swap3A_53 = vector.shape_cast %broadcast_in_dim3A_0 : vector<16xi32> to vector<16xi32>
      tpu.vector_store %arg6[%swap3A], %swap3A_53 {strides = array<i32>} : memref<128xi32, #tpu.memory_space<vmem>>, vector<16xi32>,
      %mul3A_54 = arith.constant 8 : i32
      %mul3A_55 = arith.muli %arg1, %mul3A_54 : i32
      %add3A_56 = arith.constant 0 : i32
      %add3A_57 = arith.addi %mul3A_55, %add3A_56 : i32
      %mul3A_58 = arith.constant 16 : i32
      %mul3A_59 = arith.muli %add3A_57, %mul3A_58 : i32
      %add3A_60 = vector.broadcast %mul3A_59 : i32 to vector<16xi32>
      %add3A_61 = arith.addi %iota3A, %add3A_60 : vector<16xi32>
      %swap3A_62 = arith.constant 0 : index
      %swap3A_63 = tpu.vector_load %arg7[%swap3A_62] {strides = array<i32>} : memref<128xi32, #tpu.memory_space<vmem>>, vector<16xi32>,
      %swap3A_64 = vector.shape_cast %swap3A_63 : vector<16xi32> to vector<16xi32>
      %swap3A_65 = vector.shape_cast %add3A_61 : vector<16xi32> to vector<16xi32>
      tpu.vector_store %arg7[%swap3A_62], %swap3A_65 {strides = array<i32>} : memref<128xi32, #tpu.memory_space<vmem>>, vector<16xi32>,
      %swap3A_66 = arith.constant 16 : index
      %swap3A_67 = tpu.vector_load %arg6[%swap3A_66] {strides = array<i32>} : memref<128xi32, #tpu.memory_space<vmem>>, vector<16xi32>,
      %swap3A_68 = vector.shape_cast %swap3A_67 : vector<16xi32> to vector<16xi32>
      %swap3A_69 = vector.shape_cast %broadcast_in_dim3A_0 : vector<16xi32> to vector<16xi32>
      tpu.vector_store %arg6[%swap3A_66], %swap3A_69 {strides = array<i32>} : memref<128xi32, #tpu.memory_space<vmem>>, vector<16xi32>,
      %mul3A_70 = arith.constant 8 : i32
      %mul3A_71 = arith.muli %arg1, %mul3A_70 : i32
      %add3A_72 = arith.constant 1 : i32
      %add3A_73 = arith.addi %mul3A_71, %add3A_72 : i32
      %mul3A_74 = arith.constant 16 : i32
      %mul3A_75 = arith.muli %add3A_73, %mul3A_74 : i32
      %add3A_76 = vector.broadcast %mul3A_75 : i32 to vector<16xi32>
      %add3A_77 = arith.addi %iota3A, %add3A_76 : vector<16xi32>
      %swap3A_78 = arith.constant 16 : index
      %swap3A_79 = tpu.vector_load %arg7[%swap3A_78] {strides = array<i32>} : memref<128xi32, #tpu.memory_space<vmem>>, vector<16xi32>,
      %swap3A_80 = vector.shape_cast %swap3A_79 : vector<16xi32> to vector<16xi32>
      %swap3A_81 = vector.shape_cast %add3A_77 : vector<16xi32> to vector<16xi32>
      tpu.vector_store %arg7[%swap3A_78], %swap3A_81 {strides = array<i32>} : memref<128xi32, #tpu.memory_space<vmem>>, vector<16xi32>,
      %swap3A_82 = arith.constant 32 : index
      %swap3A_83 = tpu.vector_load %arg6[%swap3A_82] {strides = array<i32>} : memref<128xi32, #tpu.memory_space<vmem>>, vector<16xi32>,
      %swap3A_84 = vector.shape_cast %swap3A_83 : vector<16xi32> to vector<16xi32>
      %swap3A_85 = vector.shape_cast %broadcast_in_dim3A_0 : vector<16xi32> to vector<16xi32>
      tpu.vector_store %arg6[%swap3A_82], %swap3A_85 {strides = array<i32>} : memref<128xi32, #tpu.memory_space<vmem>>, vector<16xi32>,
      %mul3A_86 = arith.constant 8 : i32
      %mul3A_87 = arith.muli %arg1, %mul3A_86 : i32
      %add3A_88 = arith.constant 2 : i32
      %add3A_89 = arith.addi %mul3A_87, %add3A_88 : i32
      %mul3A_90 = arith.constant 16 : i32
      %mul3A_91 = arith.muli %add3A_89, %mul3A_90 : i32
      %add3A_92 = vector.broadcast %mul3A_91 : i32 to vector<16xi32>
      %add3A_93 = arith.addi %iota3A, %add3A_92 : vector<16xi32>
      %swap3A_94 = arith.constant 32 : index
      %swap3A_95 = tpu.vector_load %arg7[%swap3A_94] {strides = array<i32>} : memref<128xi32, #tpu.memory_space<vmem>>, vector<16xi32>,
      %swap3A_96 = vector.shape_cast %swap3A_95 : vector<16xi32> to vector<16xi32>
      %swap3A_97 = vector.shape_cast %add3A_93 : vector<16xi32> to vector<16xi32>
      tpu.vector_store %arg7[%swap3A_94], %swap3A_97 {strides = array<i32>} : memref<128xi32, #tpu.memory_space<vmem>>, vector<16xi32>,
      %swap3A_98 = arith.constant 48 : index
      %swap3A_99 = tpu.vector_load %arg6[%swap3A_98] {strides = array<i32>} : memref<128xi32, #tpu.memory_space<vmem>>, vector<16xi32>,
      %swap3A_100 = vector.shape_cast %swap3A_99 : vector<16xi32> to vector<16xi32>
      %swap3A_101 = vector.shape_cast %broadcast_in_dim3A_0 : vector<16xi32> to vector<16xi32>
      tpu.vector_store %arg6[%swap3A_98], %swap3A_101 {strides = array<i32>} : memref<128xi32, #tpu.memory_space<vmem>>, vector<16xi32>,
      %mul3A_102 = arith.constant 8 : i32
      %mul3A_103 = arith.muli %arg1, %mul3A_102 : i32
      %add3A_104 = arith.constant 3 : i32
      %add3A_105 = arith.addi %mul3A_103, %add3A_104 : i32
      %mul3A_106 = arith.constant 16 : i32
      %mul3A_107 = arith.muli %add3A_105, %mul3A_106 : i32
      %add3A_108 = vector.broadcast %mul3A_107 : i32 to vector<16xi32>
      %add3A_109 = arith.addi %iota3A, %add3A_108 : vector<16xi32>
      %swap3A_110 = arith.constant 48 : index
      %swap3A_111 = tpu.vector_load %arg7[%swap3A_110] {strides = array<i32>} : memref<128xi32, #tpu.memory_space<vmem>>, vector<16xi32>,
      %swap3A_112 = vector.shape_cast %swap3A_111 : vector<16xi32> to vector<16xi32>
      %swap3A_113 = vector.shape_cast %add3A_109 : vector<16xi32> to vector<16xi32>
      tpu.vector_store %arg7[%swap3A_110], %swap3A_113 {strides = array<i32>} : memref<128xi32, #tpu.memory_space<vmem>>, vector<16xi32>,
      %swap3A_114 = arith.constant 64 : index
      %swap3A_115 = tpu.vector_load %arg6[%swap3A_114] {strides = array<i32>} : memref<128xi32, #tpu.memory_space<vmem>>, vector<16xi32>,
      %swap3A_116 = vector.shape_cast %swap3A_115 : vector<16xi32> to vector<16xi32>
      %swap3A_117 = vector.shape_cast %broadcast_in_dim3A_0 : vector<16xi32> to vector<16xi32>
      tpu.vector_store %arg6[%swap3A_114], %swap3A_117 {strides = array<i32>} : memref<128xi32, #tpu.memory_space<vmem>>, vector<16xi32>,
      %mul3A_118 = arith.constant 8 : i32
      %mul3A_119 = arith.muli %arg1, %mul3A_118 : i32
      %add3A_120 = arith.constant 4 : i32
      %add3A_121 = arith.addi %mul3A_119, %add3A_120 : i32
      %mul3A_122 = arith.constant 16 : i32
      %mul3A_123 = arith.muli %add3A_121, %mul3A_122 : i32
      %add3A_124 = vector.broadcast %mul3A_123 : i32 to vector<16xi32>
      %add3A_125 = arith.addi %iota3A, %add3A_124 : vector<16xi32>
      %swap3A_126 = arith.constant 64 : index
      %swap3A_127 = tpu.vector_load %arg7[%swap3A_126] {strides = array<i32>} : memref<128xi32, #tpu.memory_space<vmem>>, vector<16xi32>,
      %swap3A_128 = vector.shape_cast %swap3A_127 : vector<16xi32> to vector<16xi32>
      %swap3A_129 = vector.shape_cast %add3A_125 : vector<16xi32> to vector<16xi32>
      tpu.vector_store %arg7[%swap3A_126], %swap3A_129 {strides = array<i32>} : memref<128xi32, #tpu.memory_space<vmem>>, vector<16xi32>,
      %swap3A_130 = arith.constant 80 : index
      %swap3A_131 = tpu.vector_load %arg6[%swap3A_130] {strides = array<i32>} : memref<128xi32, #tpu.memory_space<vmem>>, vector<16xi32>,
      %swap3A_132 = vector.shape_cast %swap3A_131 : vector<16xi32> to vector<16xi32>
      %swap3A_133 = vector.shape_cast %broadcast_in_dim3A_0 : vector<16xi32> to vector<16xi32>
      tpu.vector_store %arg6[%swap3A_130], %swap3A_133 {strides = array<i32>} : memref<128xi32, #tpu.memory_space<vmem>>, vector<16xi32>,
      %mul3A_134 = arith.constant 8 : i32
      %mul3A_135 = arith.muli %arg1, %mul3A_134 : i32
      %add3A_136 = arith.constant 5 : i32
      %add3A_137 = arith.addi %mul3A_135, %add3A_136 : i32
      %mul3A_138 = arith.constant 16 : i32
      %mul3A_139 = arith.muli %add3A_137, %mul3A_138 : i32
      %add3A_140 = vector.broadcast %mul3A_139 : i32 to vector<16xi32>
      %add3A_141 = arith.addi %iota3A, %add3A_140 : vector<16xi32>
      %swap3A_142 = arith.constant 80 : index
      %swap3A_143 = tpu.vector_load %arg7[%swap3A_142] {strides = array<i32>} : memref<128xi32, #tpu.memory_space<vmem>>, vector<16xi32>,
      %swap3A_144 = vector.shape_cast %swap3A_143 : vector<16xi32> to vector<16xi32>
      %swap3A_145 = vector.shape_cast %add3A_141 : vector<16xi32> to vector<16xi32>
      tpu.vector_store %arg7[%swap3A_142], %swap3A_145 {strides = array<i32>} : memref<128xi32, #tpu.memory_space<vmem>>, vector<16xi32>,
      %swap3A_146 = arith.constant 96 : index
      %swap3A_147 = tpu.vector_load %arg6[%swap3A_146] {strides = array<i32>} : memref<128xi32, #tpu.memory_space<vmem>>, vector<16xi32>,
      %swap3A_148 = vector.shape_cast %swap3A_147 : vector<16xi32> to vector<16xi32>
      %swap3A_149 = vector.shape_cast %broadcast_in_dim3A_0 : vector<16xi32> to vector<16xi32>
      tpu.vector_store %arg6[%swap3A_146], %swap3A_149 {strides = array<i32>} : memref<128xi32, #tpu.memory_space<vmem>>, vector<16xi32>,
      %mul3A_150 = arith.constant 8 : i32
      %mul3A_151 = arith.muli %arg1, %mul3A_150 : i32
      %add3A_152 = arith.constant 6 : i32
      %add3A_153 = arith.addi %mul3A_151, %add3A_152 : i32
      %mul3A_154 = arith.constant 16 : i32
      %mul3A_155 = arith.muli %add3A_153, %mul3A_154 : i32
      %add3A_156 = vector.broadcast %mul3A_155 : i32 to vector<16xi32>
      %add3A_157 = arith.addi %iota3A, %add3A_156 : vector<16xi32>
      %swap3A_158 = arith.constant 96 : index
      %swap3A_159 = tpu.vector_load %arg7[%swap3A_158] {strides = array<i32>} : memref<128xi32, #tpu.memory_space<vmem>>, vector<16xi32>,
      %swap3A_160 = vector.shape_cast %swap3A_159 : vector<16xi32> to vector<16xi32>
      %swap3A_161 = vector.shape_cast %add3A_157 : vector<16xi32> to vector<16xi32>
      tpu.vector_store %arg7[%swap3A_158], %swap3A_161 {strides = array<i32>} : memref<128xi32, #tpu.memory_space<vmem>>, vector<16xi32>,
      %swap3A_162 = arith.constant 112 : index
      %swap3A_163 = tpu.vector_load %arg6[%swap3A_162] {strides = array<i32>} : memref<128xi32, #tpu.memory_space<vmem>>, vector<16xi32>,
      %swap3A_164 = vector.shape_cast %swap3A_163 : vector<16xi32> to vector<16xi32>
      %swap3A_165 = vector.shape_cast %broadcast_in_dim3A_0 : vector<16xi32> to vector<16xi32>
      tpu.vector_store %arg6[%swap3A_162], %swap3A_165 {strides = array<i32>} : memref<128xi32, #tpu.memory_space<vmem>>, vector<16xi32>,
      %mul3A_166 = arith.constant 8 : i32
      %mul3A_167 = arith.muli %arg1, %mul3A_166 : i32
      %add3A_168 = arith.constant 7 : i32
      %add3A_169 = arith.addi %mul3A_167, %add3A_168 : i32
      %mul3A_170 = arith.constant 16 : i32
      %mul3A_171 = arith.muli %add3A_169, %mul3A_170 : i32
      %add3A_172 = vector.broadcast %mul3A_171 : i32 to vector<16xi32>
      %add3A_173 = arith.addi %iota3A, %add3A_172 : vector<16xi32>
      %swap3A_174 = arith.constant 112 : index
      %swap3A_175 = tpu.vector_load %arg7[%swap3A_174] {strides = array<i32>} : memref<128xi32, #tpu.memory_space<vmem>>, vector<16xi32>,
      %swap3A_176 = vector.shape_cast %swap3A_175 : vector<16xi32> to vector<16xi32>
      %swap3A_177 = vector.shape_cast %add3A_173 : vector<16xi32> to vector<16xi32>
      tpu.vector_store %arg7[%swap3A_174], %swap3A_177 {strides = array<i32>} : memref<128xi32, #tpu.memory_space<vmem>>, vector<16xi32>,
      %barrier3A = arith.constant 0 : index
      tpu.barrier barrier_id(%barrier3A)
      %scan3A_178 = arith.constant 0 : i32
      %scan3A_179 = arith.constant 0 : i32
      %scan3A_180 = arith.constant 50 : i32
      %scan3A_181 = arith.addi %scan3A_179, %scan3A_180 : i32
      %scan3A_182 = arith.constant 1 : i32
      %scan3A_183 = scf.for %scan3A_324 = %scan3A_179 to %scan3A_181 step %scan3A_182 iter_args(%scan3A_325 = %scan3A_178) -> (i32)  : i32 {
        %mul3A_326 = arith.constant 100000 : i32
        %mul3A_327 = arith.muli %arg1, %mul3A_326 : i32
        %mul3A_328 = arith.constant 2000 : i32
        %mul3A_329 = arith.muli %scan3A_324, %mul3A_328 : i32
        %add3A_330 = arith.addi %mul3A_327, %mul3A_329 : i32
        "tpu.region"() ({
          %run_scoped3A = tpu.sem_alloc : memref<!tpu.dma_semaphore, #tpu.memory_space<semaphore_mem>>
          %dma_start3A_337 = tpu.memref_slice %arg3[%add3A_330] : memref<1600000xi32, #tpu.memory_space<hbm>> -> memref<2000xi32, #tpu.memory_space<hbm>>
          %dma_start3A_338 = tpu.memref_slice %arg3[%add3A_330] : memref<1600000xi32, #tpu.memory_space<hbm>> -> memref<2000xi32, #tpu.memory_space<hbm>>
          tpu.enqueue_dma source(%dma_start3A_338 : memref<2000xi32, #tpu.memory_space<hbm>>) target(%arg5 : memref<2000xi32, #tpu.memory_space<vmem>>) target_semaphore(%run_scoped3A : memref<!tpu.dma_semaphore, #tpu.memory_space<semaphore_mem>>)
          %dma_wait3A_339 = tpu.memref_slice %arg3[%add3A_330] : memref<1600000xi32, #tpu.memory_space<hbm>> -> memref<2000xi32, #tpu.memory_space<hbm>>
          %dma_wait3A_340 = tpu.memref_slice %arg3[%add3A_330] : memref<1600000xi32, #tpu.memory_space<hbm>> -> memref<2000xi32, #tpu.memory_space<hbm>>
          tpu.wait_dma2 semaphore(%run_scoped3A : memref<!tpu.dma_semaphore, #tpu.memory_space<semaphore_mem>>) src(%dma_wait3A_340 : memref<2000xi32, #tpu.memory_space<hbm>>) dst(%arg5 : memref<2000xi32, #tpu.memory_space<vmem>>)
          tpu.yield
        }) : () -> ()
        %scan3A_331 = arith.constant 0 : i32
        %scan3A_332 = arith.constant 125 : i32
        %scan3A_333 = arith.addi %scan3A_331, %scan3A_332 : i32
        %scan3A_334 = arith.constant 1 : i32
        %scan3A_335 = scf.for %scan3A_337 = %scan3A_331 to %scan3A_333 step %scan3A_334 iter_args(%scan3A_338 = %scan3A_325) -> (i32)  : i32 {
          %mul3A_339 = arith.constant 16 : i32
          %mul3A_340 = arith.muli %scan3A_337, %mul3A_339 : i32
          %get3A = arith.index_cast %mul3A_340 : i32 to index
          %get3A_341 = tpu.vector_load %arg5[%get3A] {strides = array<i32>} : memref<2000xi32, #tpu.memory_space<vmem>>, vector<16xi32>,
          %get3A_342 = vector.shape_cast %get3A_341 : vector<16xi32> to vector<16xi32>
          %ge3A = vector.broadcast %mul3A_11 : i32 to vector<16xi32>
          %ge3A_343 = arith.cmpi sge, %get3A_342, %ge3A : vector<16xi32>
          %add3A_344 = arith.constant 12800 : i32
          %add3A_345 = arith.addi %mul3A_11, %add3A_344 : i32
          %lt3A = vector.broadcast %add3A_345 : i32 to vector<16xi32>
          %lt3A_346 = arith.cmpi slt, %get3A_342, %lt3A : vector<16xi32>
          %and3A = arith.andi %ge3A_343, %lt3A_346 : vector<16xi1>
          %jit3A = arith.constant 1 : i32
          %jit3A_347 = arith.constant 0 : i32
          %broadcast_in_dim3A_348 = vector.broadcast %jit3A : i32 to vector<16xi32>
          %broadcast_in_dim3A_349 = vector.broadcast %jit3A_347 : i32 to vector<16xi32>
          %select_n3A = arith.select %and3A, %broadcast_in_dim3A_348, %broadcast_in_dim3A_349 : vector<16xi1>, vector<16xi32>
          %sub3A = arith.constant 1 : i32
          %sub3A_350 = vector.broadcast %sub3A : i32 to vector<16xi32>
          %sub3A_351 = arith.subi %iota3A, %sub3A_350 : vector<16xi32>
          %max3A = arith.constant 0 : i32
          %max3A_352 = vector.broadcast %max3A : i32 to vector<16xi32>
          %max3A_353 = arith.maxsi %sub3A_351, %max3A_352 : vector<16xi32>
          %lt3A_354 = arith.constant 0 : i32
          %lt3A_355 = vector.broadcast %lt3A_354 : i32 to vector<16xi32>
          %lt3A_356 = arith.cmpi slt, %max3A_353, %lt3A_355 : vector<16xi32>
          %add3A_357 = arith.constant 16 : i32
          %add3A_358 = vector.broadcast %add3A_357 : i32 to vector<16xi32>
          %add3A_359 = arith.addi %max3A_353, %add3A_358 : vector<16xi32>
          %select_n3A_360 = arith.select %lt3A_356, %add3A_359, %max3A_353 : vector<16xi1>, vector<16xi32>
          %broadcast_in_dim3A_361 = vector.shape_cast %select_n3A_360 : vector<16xi32> to vector<16x1xi32>
          %gather3A = vector.shape_cast %broadcast_in_dim3A_361 : vector<16x1xi32> to vector<16xi32>
          %gather3A_362 = tpu.dynamic_gather %select_n3A[%gather3A] in [0] : vector<16xi32>, vector<16xi32> -> vector<16xi32>
          %ge3A_363 = arith.constant 1 : i32
          %ge3A_364 = vector.broadcast %ge3A_363 : i32 to vector<16xi32>
          %ge3A_365 = arith.cmpi sge, %iota3A, %ge3A_364 : vector<16xi32>
          %jit3A_366 = arith.constant 0 : i32
          %broadcast_in_dim3A_367 = vector.broadcast %jit3A_366 : i32 to vector<16xi32>
          %select_n3A_368 = arith.select %ge3A_365, %gather3A_362, %broadcast_in_dim3A_367 : vector<16xi1>, vector<16xi32>
          %add3A_369 = arith.addi %select_n3A, %select_n3A_368 : vector<16xi32>
          %sub3A_370 = arith.constant 2 : i32
          %sub3A_371 = vector.broadcast %sub3A_370 : i32 to vector<16xi32>
          %sub3A_372 = arith.subi %iota3A, %sub3A_371 : vector<16xi32>
          %max3A_373 = arith.constant 0 : i32
          %max3A_374 = vector.broadcast %max3A_373 : i32 to vector<16xi32>
          %max3A_375 = arith.maxsi %sub3A_372, %max3A_374 : vector<16xi32>
          %lt3A_376 = arith.constant 0 : i32
          %lt3A_377 = vector.broadcast %lt3A_376 : i32 to vector<16xi32>
          %lt3A_378 = arith.cmpi slt, %max3A_375, %lt3A_377 : vector<16xi32>
          %add3A_379 = arith.constant 16 : i32
          %add3A_380 = vector.broadcast %add3A_379 : i32 to vector<16xi32>
          %add3A_381 = arith.addi %max3A_375, %add3A_380 : vector<16xi32>
          %select_n3A_382 = arith.select %lt3A_378, %add3A_381, %max3A_375 : vector<16xi1>, vector<16xi32>
          %broadcast_in_dim3A_383 = vector.shape_cast %select_n3A_382 : vector<16xi32> to vector<16x1xi32>
          %gather3A_384 = vector.shape_cast %broadcast_in_dim3A_383 : vector<16x1xi32> to vector<16xi32>
          %gather3A_385 = tpu.dynamic_gather %add3A_369[%gather3A_384] in [0] : vector<16xi32>, vector<16xi32> -> vector<16xi32>
          %ge3A_386 = arith.constant 2 : i32
          %ge3A_387 = vector.broadcast %ge3A_386 : i32 to vector<16xi32>
          %ge3A_388 = arith.cmpi sge, %iota3A, %ge3A_387 : vector<16xi32>
          %jit3A_389 = arith.constant 0 : i32
          %broadcast_in_dim3A_390 = vector.broadcast %jit3A_389 : i32 to vector<16xi32>
          %select_n3A_391 = arith.select %ge3A_388, %gather3A_385, %broadcast_in_dim3A_390 : vector<16xi1>, vector<16xi32>
          %add3A_392 = arith.addi %add3A_369, %select_n3A_391 : vector<16xi32>
          %sub3A_393 = arith.constant 4 : i32
          %sub3A_394 = vector.broadcast %sub3A_393 : i32 to vector<16xi32>
          %sub3A_395 = arith.subi %iota3A, %sub3A_394 : vector<16xi32>
          %max3A_396 = arith.constant 0 : i32
          %max3A_397 = vector.broadcast %max3A_396 : i32 to vector<16xi32>
          %max3A_398 = arith.maxsi %sub3A_395, %max3A_397 : vector<16xi32>
          %lt3A_399 = arith.constant 0 : i32
          %lt3A_400 = vector.broadcast %lt3A_399 : i32 to vector<16xi32>
          %lt3A_401 = arith.cmpi slt, %max3A_398, %lt3A_400 : vector<16xi32>
          %add3A_402 = arith.constant 16 : i32
          %add3A_403 = vector.broadcast %add3A_402 : i32 to vector<16xi32>
          %add3A_404 = arith.addi %max3A_398, %add3A_403 : vector<16xi32>
          %select_n3A_405 = arith.select %lt3A_401, %add3A_404, %max3A_398 : vector<16xi1>, vector<16xi32>
          %broadcast_in_dim3A_406 = vector.shape_cast %select_n3A_405 : vector<16xi32> to vector<16x1xi32>
          %gather3A_407 = vector.shape_cast %broadcast_in_dim3A_406 : vector<16x1xi32> to vector<16xi32>
          %gather3A_408 = tpu.dynamic_gather %add3A_392[%gather3A_407] in [0] : vector<16xi32>, vector<16xi32> -> vector<16xi32>
          %ge3A_409 = arith.constant 4 : i32
          %ge3A_410 = vector.broadcast %ge3A_409 : i32 to vector<16xi32>
          %ge3A_411 = arith.cmpi sge, %iota3A, %ge3A_410 : vector<16xi32>
          %jit3A_412 = arith.constant 0 : i32
          %broadcast_in_dim3A_413 = vector.broadcast %jit3A_412 : i32 to vector<16xi32>
          %select_n3A_414 = arith.select %ge3A_411, %gather3A_408, %broadcast_in_dim3A_413 : vector<16xi1>, vector<16xi32>
          %add3A_415 = arith.addi %add3A_392, %select_n3A_414 : vector<16xi32>
          %sub3A_416 = arith.constant 8 : i32
          %sub3A_417 = vector.broadcast %sub3A_416 : i32 to vector<16xi32>
          %sub3A_418 = arith.subi %iota3A, %sub3A_417 : vector<16xi32>
          %max3A_419 = arith.constant 0 : i32
          %max3A_420 = vector.broadcast %max3A_419 : i32 to vector<16xi32>
          %max3A_421 = arith.maxsi %sub3A_418, %max3A_420 : vector<16xi32>
          %lt3A_422 = arith.constant 0 : i32
          %lt3A_423 = vector.broadcast %lt3A_422 : i32 to vector<16xi32>
          %lt3A_424 = arith.cmpi slt, %max3A_421, %lt3A_423 : vector<16xi32>
          %add3A_425 = arith.constant 16 : i32
          %add3A_426 = vector.broadcast %add3A_425 : i32 to vector<16xi32>
          %add3A_427 = arith.addi %max3A_421, %add3A_426 : vector<16xi32>
          %select_n3A_428 = arith.select %lt3A_424, %add3A_427, %max3A_421 : vector<16xi1>, vector<16xi32>
          %broadcast_in_dim3A_429 = vector.shape_cast %select_n3A_428 : vector<16xi32> to vector<16x1xi32>
          %gather3A_430 = vector.shape_cast %broadcast_in_dim3A_429 : vector<16x1xi32> to vector<16xi32>
          %gather3A_431 = tpu.dynamic_gather %add3A_415[%gather3A_430] in [0] : vector<16xi32>, vector<16xi32> -> vector<16xi32>
          %ge3A_432 = arith.constant 8 : i32
          %ge3A_433 = vector.broadcast %ge3A_432 : i32 to vector<16xi32>
          %ge3A_434 = arith.cmpi sge, %iota3A, %ge3A_433 : vector<16xi32>
          %jit3A_435 = arith.constant 0 : i32
          %broadcast_in_dim3A_436 = vector.broadcast %jit3A_435 : i32 to vector<16xi32>
          %select_n3A_437 = arith.select %ge3A_434, %gather3A_431, %broadcast_in_dim3A_436 : vector<16xi1>, vector<16xi32>
          %add3A_438 = arith.addi %add3A_415, %select_n3A_437 : vector<16xi32>
          %broadcast_in_dim3A_439 = arith.constant 0 : i32
          %broadcast_in_dim3A_440 = vector.broadcast %broadcast_in_dim3A_439 : i32 to vector<16xi32>
          %add3A_441 = arith.constant 8 : i32
          %add3A_442 = vector.broadcast %add3A_441 : i32 to vector<16xi32>
          %add3A_443 = arith.addi %broadcast_in_dim3A_440, %add3A_442 : vector<16xi32>
          %sub3A_444 = arith.constant 1 : i32
          %sub3A_445 = vector.broadcast %sub3A_444 : i32 to vector<16xi32>
          %sub3A_446 = arith.subi %add3A_443, %sub3A_445 : vector<16xi32>
          %lt3A_447 = arith.constant 0 : i32
          %lt3A_448 = vector.broadcast %lt3A_447 : i32 to vector<16xi32>
          %lt3A_449 = arith.cmpi slt, %sub3A_446, %lt3A_448 : vector<16xi32>
          %add3A_450 = arith.constant 16 : i32
          %add3A_451 = vector.broadcast %add3A_450 : i32 to vector<16xi32>
          %add3A_452 = arith.addi %sub3A_446, %add3A_451 : vector<16xi32>
          %select_n3A_453 = arith.select %lt3A_449, %add3A_452, %sub3A_446 : vector<16xi1>, vector<16xi32>
          %broadcast_in_dim3A_454 = vector.shape_cast %select_n3A_453 : vector<16xi32> to vector<16x1xi32>
          %gather3A_455 = vector.shape_cast %broadcast_in_dim3A_454 : vector<16x1xi32> to vector<16xi32>
          %gather3A_456 = tpu.dynamic_gather %add3A_438[%gather3A_455] in [0] : vector<16xi32>, vector<16xi32> -> vector<16xi32>
          %le3A = arith.cmpi sle, %gather3A_456, %iota3A : vector<16xi32>
          %select_n3A_457 = arith.select %le3A, %add3A_443, %broadcast_in_dim3A_440 : vector<16xi1>, vector<16xi32>
          %add3A_458 = arith.constant 4 : i32
          %add3A_459 = vector.broadcast %add3A_458 : i32 to vector<16xi32>
          %add3A_460 = arith.addi %select_n3A_457, %add3A_459 : vector<16xi32>
          %sub3A_461 = arith.constant 1 : i32
          %sub3A_462 = vector.broadcast %sub3A_461 : i32 to vector<16xi32>
          %sub3A_463 = arith.subi %add3A_460, %sub3A_462 : vector<16xi32>
          %lt3A_464 = arith.constant 0 : i32
          %lt3A_465 = vector.broadcast %lt3A_464 : i32 to vector<16xi32>
          %lt3A_466 = arith.cmpi slt, %sub3A_463, %lt3A_465 : vector<16xi32>
          %add3A_467 = arith.constant 16 : i32
          %add3A_468 = vector.broadcast %add3A_467 : i32 to vector<16xi32>
          %add3A_469 = arith.addi %sub3A_463, %add3A_468 : vector<16xi32>
          %select_n3A_470 = arith.select %lt3A_466, %add3A_469, %sub3A_463 : vector<16xi1>, vector<16xi32>
          %broadcast_in_dim3A_471 = vector.shape_cast %select_n3A_470 : vector<16xi32> to vector<16x1xi32>
          %gather3A_472 = vector.shape_cast %broadcast_in_dim3A_471 : vector<16x1xi32> to vector<16xi32>
          %gather3A_473 = tpu.dynamic_gather %add3A_438[%gather3A_472] in [0] : vector<16xi32>, vector<16xi32> -> vector<16xi32>
          %le3A_474 = arith.cmpi sle, %gather3A_473, %iota3A : vector<16xi32>
          %select_n3A_475 = arith.select %le3A_474, %add3A_460, %select_n3A_457 : vector<16xi1>, vector<16xi32>
          %add3A_476 = arith.constant 2 : i32
          %add3A_477 = vector.broadcast %add3A_476 : i32 to vector<16xi32>
          %add3A_478 = arith.addi %select_n3A_475, %add3A_477 : vector<16xi32>
          %sub3A_479 = arith.constant 1 : i32
          %sub3A_480 = vector.broadcast %sub3A_479 : i32 to vector<16xi32>
          %sub3A_481 = arith.subi %add3A_478, %sub3A_480 : vector<16xi32>
          %lt3A_482 = arith.constant 0 : i32
          %lt3A_483 = vector.broadcast %lt3A_482 : i32 to vector<16xi32>
          %lt3A_484 = arith.cmpi slt, %sub3A_481, %lt3A_483 : vector<16xi32>
          %add3A_485 = arith.constant 16 : i32
          %add3A_486 = vector.broadcast %add3A_485 : i32 to vector<16xi32>
          %add3A_487 = arith.addi %sub3A_481, %add3A_486 : vector<16xi32>
          %select_n3A_488 = arith.select %lt3A_484, %add3A_487, %sub3A_481 : vector<16xi1>, vector<16xi32>
          %broadcast_in_dim3A_489 = vector.shape_cast %select_n3A_488 : vector<16xi32> to vector<16x1xi32>
          %gather3A_490 = vector.shape_cast %broadcast_in_dim3A_489 : vector<16x1xi32> to vector<16xi32>
          %gather3A_491 = tpu.dynamic_gather %add3A_438[%gather3A_490] in [0] : vector<16xi32>, vector<16xi32> -> vector<16xi32>
          %le3A_492 = arith.cmpi sle, %gather3A_491, %iota3A : vector<16xi32>
          %select_n3A_493 = arith.select %le3A_492, %add3A_478, %select_n3A_475 : vector<16xi1>, vector<16xi32>
          %add3A_494 = arith.constant 1 : i32
          %add3A_495 = vector.broadcast %add3A_494 : i32 to vector<16xi32>
          %add3A_496 = arith.addi %select_n3A_493, %add3A_495 : vector<16xi32>
          %sub3A_497 = arith.constant 1 : i32
          %sub3A_498 = vector.broadcast %sub3A_497 : i32 to vector<16xi32>
          %sub3A_499 = arith.subi %add3A_496, %sub3A_498 : vector<16xi32>
          %lt3A_500 = arith.constant 0 : i32
          %lt3A_501 = vector.broadcast %lt3A_500 : i32 to vector<16xi32>
          %lt3A_502 = arith.cmpi slt, %sub3A_499, %lt3A_501 : vector<16xi32>
          %add3A_503 = arith.constant 16 : i32
          %add3A_504 = vector.broadcast %add3A_503 : i32 to vector<16xi32>
          %add3A_505 = arith.addi %sub3A_499, %add3A_504 : vector<16xi32>
          %select_n3A_506 = arith.select %lt3A_502, %add3A_505, %sub3A_499 : vector<16xi1>, vector<16xi32>
          %broadcast_in_dim3A_507 = vector.shape_cast %select_n3A_506 : vector<16xi32> to vector<16x1xi32>
          %gather3A_508 = vector.shape_cast %broadcast_in_dim3A_507 : vector<16x1xi32> to vector<16xi32>
          %gather3A_509 = tpu.dynamic_gather %add3A_438[%gather3A_508] in [0] : vector<16xi32>, vector<16xi32> -> vector<16xi32>
          %le3A_510 = arith.cmpi sle, %gather3A_509, %iota3A : vector<16xi32>
          %select_n3A_511 = arith.select %le3A_510, %add3A_496, %select_n3A_493 : vector<16xi1>, vector<16xi32>
          %min3A = arith.constant 15 : i32
          %min3A_512 = vector.broadcast %min3A : i32 to vector<16xi32>
          %min3A_513 = arith.minsi %select_n3A_511, %min3A_512 : vector<16xi32>
          %broadcast_in_dim3A_514 = arith.constant 15 : i32
          %broadcast_in_dim3A_515 = vector.broadcast %broadcast_in_dim3A_514 : i32 to vector<16xi32>
          %lt3A_516 = arith.constant 0 : i32
          %lt3A_517 = vector.broadcast %lt3A_516 : i32 to vector<16xi32>
          %lt3A_518 = arith.cmpi slt, %broadcast_in_dim3A_515, %lt3A_517 : vector<16xi32>
          %add3A_519 = arith.constant 16 : i32
          %add3A_520 = vector.broadcast %add3A_519 : i32 to vector<16xi32>
          %add3A_521 = arith.addi %broadcast_in_dim3A_515, %add3A_520 : vector<16xi32>
          %select_n3A_522 = arith.select %lt3A_518, %add3A_521, %broadcast_in_dim3A_515 : vector<16xi1>, vector<16xi32>
          %broadcast_in_dim3A_523 = vector.shape_cast %select_n3A_522 : vector<16xi32> to vector<16x1xi32>
          %gather3A_524 = vector.shape_cast %broadcast_in_dim3A_523 : vector<16x1xi32> to vector<16xi32>
          %gather3A_525 = tpu.dynamic_gather %add3A_438[%gather3A_524] in [0] : vector<16xi32>, vector<16xi32> -> vector<16xi32>
          %lt3A_526 = arith.cmpi slt, %iota3A, %gather3A_525 : vector<16xi32>
          %sub3A_527 = vector.broadcast %mul3A_11 : i32 to vector<16xi32>
          %sub3A_528 = arith.subi %get3A_342, %sub3A_527 : vector<16xi32>
          %jit3A_529 = arith.constant 12800 : i32
          %broadcast_in_dim3A_530 = vector.broadcast %jit3A_529 : i32 to vector<16xi32>
          %select_n3A_531 = arith.select %and3A, %sub3A_528, %broadcast_in_dim3A_530 : vector<16xi1>, vector<16xi32>
          %mul3A_532 = arith.constant 16 : i32
          %mul3A_533 = arith.muli %scan3A_337, %mul3A_532 : i32
          %add3A_534 = arith.addi %add3A_330, %mul3A_533 : i32
          %add3A_535 = vector.broadcast %add3A_534 : i32 to vector<16xi32>
          %add3A_536 = arith.addi %add3A_535, %iota3A : vector<16xi32>
          %select_n3A_537 = arith.select %and3A, %add3A_536, %iota3A : vector<16xi1>, vector<16xi32>
          %lt3A_538 = arith.constant 0 : i32
          %lt3A_539 = vector.broadcast %lt3A_538 : i32 to vector<16xi32>
          %lt3A_540 = arith.cmpi slt, %min3A_513, %lt3A_539 : vector<16xi32>
          %add3A_541 = arith.constant 16 : i32
          %add3A_542 = vector.broadcast %add3A_541 : i32 to vector<16xi32>
          %add3A_543 = arith.addi %min3A_513, %add3A_542 : vector<16xi32>
          %select_n3A_544 = arith.select %lt3A_540, %add3A_543, %min3A_513 : vector<16xi1>, vector<16xi32>
          %broadcast_in_dim3A_545 = vector.shape_cast %select_n3A_544 : vector<16xi32> to vector<16x1xi32>
          %gather3A_546 = vector.shape_cast %broadcast_in_dim3A_545 : vector<16x1xi32> to vector<16xi32>
          %gather3A_547 = tpu.dynamic_gather %select_n3A_531[%gather3A_546] in [0] : vector<16xi32>, vector<16xi32> -> vector<16xi32>
          %jit3A_548 = arith.constant 12800 : i32
          %broadcast_in_dim3A_549 = vector.broadcast %jit3A_548 : i32 to vector<16xi32>
          %select_n3A_550 = arith.select %lt3A_526, %gather3A_547, %broadcast_in_dim3A_549 : vector<16xi1>, vector<16xi32>
          %lt3A_551 = arith.constant 0 : i32
          %lt3A_552 = vector.broadcast %lt3A_551 : i32 to vector<16xi32>
          %lt3A_553 = arith.cmpi slt, %min3A_513, %lt3A_552 : vector<16xi32>
          %add3A_554 = arith.constant 16 : i32
          %add3A_555 = vector.broadcast %add3A_554 : i32 to vector<16xi32>
          %add3A_556 = arith.addi %min3A_513, %add3A_555 : vector<16xi32>
          %select_n3A_557 = arith.select %lt3A_553, %add3A_556, %min3A_513 : vector<16xi1>, vector<16xi32>
          %broadcast_in_dim3A_558 = vector.shape_cast %select_n3A_557 : vector<16xi32> to vector<16x1xi32>
          %gather3A_559 = vector.shape_cast %broadcast_in_dim3A_558 : vector<16x1xi32> to vector<16xi32>
          %gather3A_560 = tpu.dynamic_gather %select_n3A_537[%gather3A_559] in [0] : vector<16xi32>, vector<16xi32> -> vector<16xi32>
          %select_n3A_561 = arith.select %lt3A_526, %gather3A_560, %iota3A : vector<16xi1>, vector<16xi32>
          %swap3A_562 = arith.index_cast %scan3A_338 : i32 to index
          %swap3A_563 = tpu.vector_load %arg6[%swap3A_562] {strides = array<i32>} : memref<128xi32, #tpu.memory_space<vmem>>, vector<16xi32>,
          %swap3A_564 = vector.shape_cast %swap3A_563 : vector<16xi32> to vector<16xi32>
          %swap3A_565 = vector.shape_cast %select_n3A_550 : vector<16xi32> to vector<16xi32>
          tpu.vector_store %arg6[%swap3A_562], %swap3A_565 {strides = array<i32>} : memref<128xi32, #tpu.memory_space<vmem>>, vector<16xi32>,
          %swap3A_566 = arith.index_cast %scan3A_338 : i32 to index
          %swap3A_567 = tpu.vector_load %arg7[%swap3A_566] {strides = array<i32>} : memref<128xi32, #tpu.memory_space<vmem>>, vector<16xi32>,
          %swap3A_568 = vector.shape_cast %swap3A_567 : vector<16xi32> to vector<16xi32>
          %swap3A_569 = vector.shape_cast %select_n3A_561 : vector<16xi32> to vector<16xi32>
          tpu.vector_store %arg7[%swap3A_566], %swap3A_569 {strides = array<i32>} : memref<128xi32, #tpu.memory_space<vmem>>, vector<16xi32>,
          %slice3A = vector.extract_strided_slice %add3A_438 {offsets = [15], sizes = [1], strides = [1]} : vector<16xi32> to vector<1xi32>
          %squeeze3A = vector.extract %slice3A[0] : i32 from vector<1xi32>
          %add3A_570 = arith.addi %scan3A_338, %squeeze3A : i32
          %gt3A = arith.constant 112 : i32
          %gt3A_571 = arith.cmpi sgt, %add3A_570, %gt3A : i32
          %convert_element_type3A_572 = arith.extui %gt3A_571 : i1 to i32
          %cond3A_573 = arith.constant 0 : i32
          %cond3A_574 = arith.cmpi ne, %convert_element_type3A_572, %cond3A_573 : i32
          %cond3A_575 = scf.if %cond3A_574 -> (i32) {
            %dma_start3A_576 = arith.constant 0 : i32
            %dma_start3A_577 = arith.constant 0 : i32
            %dma_start3A_578 = tpu.memref_slice %arg2[%dma_start3A_576, %dma_start3A_577] : memref<1600000x128xf32, #tpu.memory_space<hbm>> -> memref<1600000x128xf32, #tpu.memory_space<hbm>>
            tpu.enqueue_indirect_dma source(%dma_start3A_578 : memref<1600000x128xf32, #tpu.memory_space<hbm>>) target(%arg9 : memref<128x128xf32, #tpu.memory_space<vmem>>) offsets(%arg7 : memref<128xi32, #tpu.memory_space<vmem>>) semaphore(%arg11 : memref<!tpu.dma_semaphore, #tpu.memory_space<semaphore_mem>>)
            %dma_wait3A_579 = arith.constant 0 : i32
            %dma_wait3A_580 = arith.constant 0 : i32
            %dma_wait3A_581 = tpu.memref_slice %arg2[%dma_wait3A_579, %dma_wait3A_580] : memref<1600000x128xf32, #tpu.memory_space<hbm>> -> memref<1600000x128xf32, #tpu.memory_space<hbm>>
            tpu.wait_indirect_dma semaphore(%arg11 : memref<!tpu.dma_semaphore, #tpu.memory_space<semaphore_mem>>) src(%dma_wait3A_581 : memref<1600000x128xf32, #tpu.memory_space<hbm>>) dst(%arg9 : memref<128x128xf32, #tpu.memory_space<vmem>>)
            "tpu.region"() ({
              %run_scoped3A = tpu.sem_alloc : memref<!tpu.dma_semaphore, #tpu.memory_space<semaphore_mem>>
              %dma_start3A_711 = arith.constant 0 : i32
              %dma_start3A_712 = arith.constant 0 : i32
              %dma_start3A_713 = tpu.memref_slice %arg10[%dma_start3A_711, %dma_start3A_712] : memref<12816x128xf32, #tpu.memory_space<vmem_shared>> -> memref<12816x128xf32, #tpu.memory_space<vmem_shared>>
              tpu.enqueue_indirect_dma source(%arg9 : memref<128x128xf32, #tpu.memory_space<vmem>>) target(%dma_start3A_713 : memref<12816x128xf32, #tpu.memory_space<vmem_shared>>) offsets(%arg6 : memref<128xi32, #tpu.memory_space<vmem>>) semaphore(%run_scoped3A : memref<!tpu.dma_semaphore, #tpu.memory_space<semaphore_mem>>) {add = true}
              %dma_wait3A_714 = arith.constant 0 : i32
              %dma_wait3A_715 = arith.constant 0 : i32
              %dma_wait3A_716 = tpu.memref_slice %arg10[%dma_wait3A_714, %dma_wait3A_715] : memref<12816x128xf32, #tpu.memory_space<vmem_shared>> -> memref<12816x128xf32, #tpu.memory_space<vmem_shared>>
              tpu.wait_indirect_dma semaphore(%run_scoped3A : memref<!tpu.dma_semaphore, #tpu.memory_space<semaphore_mem>>) src(%arg9 : memref<128x128xf32, #tpu.memory_space<vmem>>) dst(%dma_wait3A_716 : memref<12816x128xf32, #tpu.memory_space<vmem_shared>>)
              tpu.yield
            }) : () -> ()
            %swap3A_582 = arith.constant 0 : index
            %swap3A_583 = tpu.vector_load %arg6[%swap3A_582] {strides = array<i32>} : memref<128xi32, #tpu.memory_space<vmem>>, vector<16xi32>,
            %swap3A_584 = vector.shape_cast %swap3A_583 : vector<16xi32> to vector<16xi32>
            %swap3A_585 = vector.shape_cast %broadcast_in_dim3A_0 : vector<16xi32> to vector<16xi32>
            tpu.vector_store %arg6[%swap3A_582], %swap3A_585 {strides = array<i32>} : memref<128xi32, #tpu.memory_space<vmem>>, vector<16xi32>,
            %mul3A_586 = arith.constant 8 : i32
            %mul3A_587 = arith.muli %arg1, %mul3A_586 : i32
            %add3A_588 = arith.constant 0 : i32
            %add3A_589 = arith.addi %mul3A_587, %add3A_588 : i32
            %mul3A_590 = arith.constant 16 : i32
            %mul3A_591 = arith.muli %add3A_589, %mul3A_590 : i32
            %add3A_592 = vector.broadcast %mul3A_591 : i32 to vector<16xi32>
            %add3A_593 = arith.addi %iota3A, %add3A_592 : vector<16xi32>
            %swap3A_594 = arith.constant 0 : index
            %swap3A_595 = tpu.vector_load %arg7[%swap3A_594] {strides = array<i32>} : memref<128xi32, #tpu.memory_space<vmem>>, vector<16xi32>,
            %swap3A_596 = vector.shape_cast %swap3A_595 : vector<16xi32> to vector<16xi32>
            %swap3A_597 = vector.shape_cast %add3A_593 : vector<16xi32> to vector<16xi32>
            tpu.vector_store %arg7[%swap3A_594], %swap3A_597 {strides = array<i32>} : memref<128xi32, #tpu.memory_space<vmem>>, vector<16xi32>,
            %swap3A_598 = arith.constant 16 : index
            %swap3A_599 = tpu.vector_load %arg6[%swap3A_598] {strides = array<i32>} : memref<128xi32, #tpu.memory_space<vmem>>, vector<16xi32>,
            %swap3A_600 = vector.shape_cast %swap3A_599 : vector<16xi32> to vector<16xi32>
            %swap3A_601 = vector.shape_cast %broadcast_in_dim3A_0 : vector<16xi32> to vector<16xi32>
            tpu.vector_store %arg6[%swap3A_598], %swap3A_601 {strides = array<i32>} : memref<128xi32, #tpu.memory_space<vmem>>, vector<16xi32>,
            %mul3A_602 = arith.constant 8 : i32
            %mul3A_603 = arith.muli %arg1, %mul3A_602 : i32
            %add3A_604 = arith.constant 1 : i32
            %add3A_605 = arith.addi %mul3A_603, %add3A_604 : i32
            %mul3A_606 = arith.constant 16 : i32
            %mul3A_607 = arith.muli %add3A_605, %mul3A_606 : i32
            %add3A_608 = vector.broadcast %mul3A_607 : i32 to vector<16xi32>
            %add3A_609 = arith.addi %iota3A, %add3A_608 : vector<16xi32>
            %swap3A_610 = arith.constant 16 : index
            %swap3A_611 = tpu.vector_load %arg7[%swap3A_610] {strides = array<i32>} : memref<128xi32, #tpu.memory_space<vmem>>, vector<16xi32>,
            %swap3A_612 = vector.shape_cast %swap3A_611 : vector<16xi32> to vector<16xi32>
            %swap3A_613 = vector.shape_cast %add3A_609 : vector<16xi32> to vector<16xi32>
            tpu.vector_store %arg7[%swap3A_610], %swap3A_613 {strides = array<i32>} : memref<128xi32, #tpu.memory_space<vmem>>, vector<16xi32>,
            %swap3A_614 = arith.constant 32 : index
            %swap3A_615 = tpu.vector_load %arg6[%swap3A_614] {strides = array<i32>} : memref<128xi32, #tpu.memory_space<vmem>>, vector<16xi32>,
            %swap3A_616 = vector.shape_cast %swap3A_615 : vector<16xi32> to vector<16xi32>
            %swap3A_617 = vector.shape_cast %broadcast_in_dim3A_0 : vector<16xi32> to vector<16xi32>
            tpu.vector_store %arg6[%swap3A_614], %swap3A_617 {strides = array<i32>} : memref<128xi32, #tpu.memory_space<vmem>>, vector<16xi32>,
            %mul3A_618 = arith.constant 8 : i32
            %mul3A_619 = arith.muli %arg1, %mul3A_618 : i32
            %add3A_620 = arith.constant 2 : i32
            %add3A_621 = arith.addi %mul3A_619, %add3A_620 : i32
            %mul3A_622 = arith.constant 16 : i32
            %mul3A_623 = arith.muli %add3A_621, %mul3A_622 : i32
            %add3A_624 = vector.broadcast %mul3A_623 : i32 to vector<16xi32>
            %add3A_625 = arith.addi %iota3A, %add3A_624 : vector<16xi32>
            %swap3A_626 = arith.constant 32 : index
            %swap3A_627 = tpu.vector_load %arg7[%swap3A_626] {strides = array<i32>} : memref<128xi32, #tpu.memory_space<vmem>>, vector<16xi32>,
            %swap3A_628 = vector.shape_cast %swap3A_627 : vector<16xi32> to vector<16xi32>
            %swap3A_629 = vector.shape_cast %add3A_625 : vector<16xi32> to vector<16xi32>
            tpu.vector_store %arg7[%swap3A_626], %swap3A_629 {strides = array<i32>} : memref<128xi32, #tpu.memory_space<vmem>>, vector<16xi32>,
            %swap3A_630 = arith.constant 48 : index
            %swap3A_631 = tpu.vector_load %arg6[%swap3A_630] {strides = array<i32>} : memref<128xi32, #tpu.memory_space<vmem>>, vector<16xi32>,
            %swap3A_632 = vector.shape_cast %swap3A_631 : vector<16xi32> to vector<16xi32>
            %swap3A_633 = vector.shape_cast %broadcast_in_dim3A_0 : vector<16xi32> to vector<16xi32>
            tpu.vector_store %arg6[%swap3A_630], %swap3A_633 {strides = array<i32>} : memref<128xi32, #tpu.memory_space<vmem>>, vector<16xi32>,
            %mul3A_634 = arith.constant 8 : i32
            %mul3A_635 = arith.muli %arg1, %mul3A_634 : i32
            %add3A_636 = arith.constant 3 : i32
            %add3A_637 = arith.addi %mul3A_635, %add3A_636 : i32
            %mul3A_638 = arith.constant 16 : i32
            %mul3A_639 = arith.muli %add3A_637, %mul3A_638 : i32
            %add3A_640 = vector.broadcast %mul3A_639 : i32 to vector<16xi32>
            %add3A_641 = arith.addi %iota3A, %add3A_640 : vector<16xi32>
            %swap3A_642 = arith.constant 48 : index
            %swap3A_643 = tpu.vector_load %arg7[%swap3A_642] {strides = array<i32>} : memref<128xi32, #tpu.memory_space<vmem>>, vector<16xi32>,
            %swap3A_644 = vector.shape_cast %swap3A_643 : vector<16xi32> to vector<16xi32>
            %swap3A_645 = vector.shape_cast %add3A_641 : vector<16xi32> to vector<16xi32>
            tpu.vector_store %arg7[%swap3A_642], %swap3A_645 {strides = array<i32>} : memref<128xi32, #tpu.memory_space<vmem>>, vector<16xi32>,
            %swap3A_646 = arith.constant 64 : index
            %swap3A_647 = tpu.vector_load %arg6[%swap3A_646] {strides = array<i32>} : memref<128xi32, #tpu.memory_space<vmem>>, vector<16xi32>,
            %swap3A_648 = vector.shape_cast %swap3A_647 : vector<16xi32> to vector<16xi32>
            %swap3A_649 = vector.shape_cast %broadcast_in_dim3A_0 : vector<16xi32> to vector<16xi32>
            tpu.vector_store %arg6[%swap3A_646], %swap3A_649 {strides = array<i32>} : memref<128xi32, #tpu.memory_space<vmem>>, vector<16xi32>,
            %mul3A_650 = arith.constant 8 : i32
            %mul3A_651 = arith.muli %arg1, %mul3A_650 : i32
            %add3A_652 = arith.constant 4 : i32
            %add3A_653 = arith.addi %mul3A_651, %add3A_652 : i32
            %mul3A_654 = arith.constant 16 : i32
            %mul3A_655 = arith.muli %add3A_653, %mul3A_654 : i32
            %add3A_656 = vector.broadcast %mul3A_655 : i32 to vector<16xi32>
            %add3A_657 = arith.addi %iota3A, %add3A_656 : vector<16xi32>
            %swap3A_658 = arith.constant 64 : index
            %swap3A_659 = tpu.vector_load %arg7[%swap3A_658] {strides = array<i32>} : memref<128xi32, #tpu.memory_space<vmem>>, vector<16xi32>,
            %swap3A_660 = vector.shape_cast %swap3A_659 : vector<16xi32> to vector<16xi32>
            %swap3A_661 = vector.shape_cast %add3A_657 : vector<16xi32> to vector<16xi32>
            tpu.vector_store %arg7[%swap3A_658], %swap3A_661 {strides = array<i32>} : memref<128xi32, #tpu.memory_space<vmem>>, vector<16xi32>,
            %swap3A_662 = arith.constant 80 : index
            %swap3A_663 = tpu.vector_load %arg6[%swap3A_662] {strides = array<i32>} : memref<128xi32, #tpu.memory_space<vmem>>, vector<16xi32>,
            %swap3A_664 = vector.shape_cast %swap3A_663 : vector<16xi32> to vector<16xi32>
            %swap3A_665 = vector.shape_cast %broadcast_in_dim3A_0 : vector<16xi32> to vector<16xi32>
            tpu.vector_store %arg6[%swap3A_662], %swap3A_665 {strides = array<i32>} : memref<128xi32, #tpu.memory_space<vmem>>, vector<16xi32>,
            %mul3A_666 = arith.constant 8 : i32
            %mul3A_667 = arith.muli %arg1, %mul3A_666 : i32
            %add3A_668 = arith.constant 5 : i32
            %add3A_669 = arith.addi %mul3A_667, %add3A_668 : i32
            %mul3A_670 = arith.constant 16 : i32
            %mul3A_671 = arith.muli %add3A_669, %mul3A_670 : i32
            %add3A_672 = vector.broadcast %mul3A_671 : i32 to vector<16xi32>
            %add3A_673 = arith.addi %iota3A, %add3A_672 : vector<16xi32>
            %swap3A_674 = arith.constant 80 : index
            %swap3A_675 = tpu.vector_load %arg7[%swap3A_674] {strides = array<i32>} : memref<128xi32, #tpu.memory_space<vmem>>, vector<16xi32>,
            %swap3A_676 = vector.shape_cast %swap3A_675 : vector<16xi32> to vector<16xi32>
            %swap3A_677 = vector.shape_cast %add3A_673 : vector<16xi32> to vector<16xi32>
            tpu.vector_store %arg7[%swap3A_674], %swap3A_677 {strides = array<i32>} : memref<128xi32, #tpu.memory_space<vmem>>, vector<16xi32>,
            %swap3A_678 = arith.constant 96 : index
            %swap3A_679 = tpu.vector_load %arg6[%swap3A_678] {strides = array<i32>} : memref<128xi32, #tpu.memory_space<vmem>>, vector<16xi32>,
            %swap3A_680 = vector.shape_cast %swap3A_679 : vector<16xi32> to vector<16xi32>
            %swap3A_681 = vector.shape_cast %broadcast_in_dim3A_0 : vector<16xi32> to vector<16xi32>
            tpu.vector_store %arg6[%swap3A_678], %swap3A_681 {strides = array<i32>} : memref<128xi32, #tpu.memory_space<vmem>>, vector<16xi32>,
            %mul3A_682 = arith.constant 8 : i32
            %mul3A_683 = arith.muli %arg1, %mul3A_682 : i32
            %add3A_684 = arith.constant 6 : i32
            %add3A_685 = arith.addi %mul3A_683, %add3A_684 : i32
            %mul3A_686 = arith.constant 16 : i32
            %mul3A_687 = arith.muli %add3A_685, %mul3A_686 : i32
            %add3A_688 = vector.broadcast %mul3A_687 : i32 to vector<16xi32>
            %add3A_689 = arith.addi %iota3A, %add3A_688 : vector<16xi32>
            %swap3A_690 = arith.constant 96 : index
            %swap3A_691 = tpu.vector_load %arg7[%swap3A_690] {strides = array<i32>} : memref<128xi32, #tpu.memory_space<vmem>>, vector<16xi32>,
            %swap3A_692 = vector.shape_cast %swap3A_691 : vector<16xi32> to vector<16xi32>
            %swap3A_693 = vector.shape_cast %add3A_689 : vector<16xi32> to vector<16xi32>
            tpu.vector_store %arg7[%swap3A_690], %swap3A_693 {strides = array<i32>} : memref<128xi32, #tpu.memory_space<vmem>>, vector<16xi32>,
            %swap3A_694 = arith.constant 112 : index
            %swap3A_695 = tpu.vector_load %arg6[%swap3A_694] {strides = array<i32>} : memref<128xi32, #tpu.memory_space<vmem>>, vector<16xi32>,
            %swap3A_696 = vector.shape_cast %swap3A_695 : vector<16xi32> to vector<16xi32>
            %swap3A_697 = vector.shape_cast %broadcast_in_dim3A_0 : vector<16xi32> to vector<16xi32>
            tpu.vector_store %arg6[%swap3A_694], %swap3A_697 {strides = array<i32>} : memref<128xi32, #tpu.memory_space<vmem>>, vector<16xi32>,
            %mul3A_698 = arith.constant 8 : i32
            %mul3A_699 = arith.muli %arg1, %mul3A_698 : i32
            %add3A_700 = arith.constant 7 : i32
            %add3A_701 = arith.addi %mul3A_699, %add3A_700 : i32
            %mul3A_702 = arith.constant 16 : i32
            %mul3A_703 = arith.muli %add3A_701, %mul3A_702 : i32
            %add3A_704 = vector.broadcast %mul3A_703 : i32 to vector<16xi32>
            %add3A_705 = arith.addi %iota3A, %add3A_704 : vector<16xi32>
            %swap3A_706 = arith.constant 112 : index
            %swap3A_707 = tpu.vector_load %arg7[%swap3A_706] {strides = array<i32>} : memref<128xi32, #tpu.memory_space<vmem>>, vector<16xi32>,
            %swap3A_708 = vector.shape_cast %swap3A_707 : vector<16xi32> to vector<16xi32>
            %swap3A_709 = vector.shape_cast %add3A_705 : vector<16xi32> to vector<16xi32>
            tpu.vector_store %arg7[%swap3A_706], %swap3A_709 {strides = array<i32>} : memref<128xi32, #tpu.memory_space<vmem>>, vector<16xi32>,
            %cond3A_710 = arith.constant 0 : i32
            scf.yield %cond3A_710 : i32
          } else {
            scf.yield %add3A_570 : i32
          }
          scf.yield %cond3A_575 : i32
        }
        %scan3A_336 = arith.constant 125 : i32
        scf.yield %scan3A_335 : i32
      }
      %scan3A_184 = arith.constant 50 : i32
      %dma_start3A = arith.constant 0 : i32
      %dma_start3A_185 = arith.constant 0 : i32
      %dma_start3A_186 = tpu.memref_slice %arg2[%dma_start3A, %dma_start3A_185] : memref<1600000x128xf32, #tpu.memory_space<hbm>> -> memref<1600000x128xf32, #tpu.memory_space<hbm>>
      tpu.enqueue_indirect_dma source(%dma_start3A_186 : memref<1600000x128xf32, #tpu.memory_space<hbm>>) target(%arg9 : memref<128x128xf32, #tpu.memory_space<vmem>>) offsets(%arg7 : memref<128xi32, #tpu.memory_space<vmem>>) semaphore(%arg11 : memref<!tpu.dma_semaphore, #tpu.memory_space<semaphore_mem>>)
      %dma_wait3A = arith.constant 0 : i32
      %dma_wait3A_187 = arith.constant 0 : i32
      %dma_wait3A_188 = tpu.memref_slice %arg2[%dma_wait3A, %dma_wait3A_187] : memref<1600000x128xf32, #tpu.memory_space<hbm>> -> memref<1600000x128xf32, #tpu.memory_space<hbm>>
      tpu.wait_indirect_dma semaphore(%arg11 : memref<!tpu.dma_semaphore, #tpu.memory_space<semaphore_mem>>) src(%dma_wait3A_188 : memref<1600000x128xf32, #tpu.memory_space<hbm>>) dst(%arg9 : memref<128x128xf32, #tpu.memory_space<vmem>>)
      "tpu.region"() ({
        %run_scoped3A = tpu.sem_alloc : memref<!tpu.dma_semaphore, #tpu.memory_space<semaphore_mem>>
        %dma_start3A_324 = arith.constant 0 : i32
        %dma_start3A_325 = arith.constant 0 : i32
        %dma_start3A_326 = tpu.memref_slice %arg10[%dma_start3A_324, %dma_start3A_325] : memref<12816x128xf32, #tpu.memory_space<vmem_shared>> -> memref<12816x128xf32, #tpu.memory_space<vmem_shared>>
        tpu.enqueue_indirect_dma source(%arg9 : memref<128x128xf32, #tpu.memory_space<vmem>>) target(%dma_start3A_326 : memref<12816x128xf32, #tpu.memory_space<vmem_shared>>) offsets(%arg6 : memref<128xi32, #tpu.memory_space<vmem>>) semaphore(%run_scoped3A : memref<!tpu.dma_semaphore, #tpu.memory_space<semaphore_mem>>) {add = true}
        %dma_wait3A_327 = arith.constant 0 : i32
        %dma_wait3A_328 = arith.constant 0 : i32
        %dma_wait3A_329 = tpu.memref_slice %arg10[%dma_wait3A_327, %dma_wait3A_328] : memref<12816x128xf32, #tpu.memory_space<vmem_shared>> -> memref<12816x128xf32, #tpu.memory_space<vmem_shared>>
        tpu.wait_indirect_dma semaphore(%run_scoped3A : memref<!tpu.dma_semaphore, #tpu.memory_space<semaphore_mem>>) src(%arg9 : memref<128x128xf32, #tpu.memory_space<vmem>>) dst(%dma_wait3A_329 : memref<12816x128xf32, #tpu.memory_space<vmem_shared>>)
        tpu.yield
      }) : () -> ()
      %swap3A_189 = arith.constant 0 : index
      %swap3A_190 = tpu.vector_load %arg6[%swap3A_189] {strides = array<i32>} : memref<128xi32, #tpu.memory_space<vmem>>, vector<16xi32>,
      %swap3A_191 = vector.shape_cast %swap3A_190 : vector<16xi32> to vector<16xi32>
      %swap3A_192 = vector.shape_cast %broadcast_in_dim3A_0 : vector<16xi32> to vector<16xi32>
      tpu.vector_store %arg6[%swap3A_189], %swap3A_192 {strides = array<i32>} : memref<128xi32, #tpu.memory_space<vmem>>, vector<16xi32>,
      %mul3A_193 = arith.constant 8 : i32
      %mul3A_194 = arith.muli %arg1, %mul3A_193 : i32
      %add3A_195 = arith.constant 0 : i32
      %add3A_196 = arith.addi %mul3A_194, %add3A_195 : i32
      %mul3A_197 = arith.constant 16 : i32
      %mul3A_198 = arith.muli %add3A_196, %mul3A_197 : i32
      %add3A_199 = vector.broadcast %mul3A_198 : i32 to vector<16xi32>
      %add3A_200 = arith.addi %iota3A, %add3A_199 : vector<16xi32>
      %swap3A_201 = arith.constant 0 : index
      %swap3A_202 = tpu.vector_load %arg7[%swap3A_201] {strides = array<i32>} : memref<128xi32, #tpu.memory_space<vmem>>, vector<16xi32>,
      %swap3A_203 = vector.shape_cast %swap3A_202 : vector<16xi32> to vector<16xi32>
      %swap3A_204 = vector.shape_cast %add3A_200 : vector<16xi32> to vector<16xi32>
      tpu.vector_store %arg7[%swap3A_201], %swap3A_204 {strides = array<i32>} : memref<128xi32, #tpu.memory_space<vmem>>, vector<16xi32>,
      %swap3A_205 = arith.constant 16 : index
      %swap3A_206 = tpu.vector_load %arg6[%swap3A_205] {strides = array<i32>} : memref<128xi32, #tpu.memory_space<vmem>>, vector<16xi32>,
      %swap3A_207 = vector.shape_cast %swap3A_206 : vector<16xi32> to vector<16xi32>
      %swap3A_208 = vector.shape_cast %broadcast_in_dim3A_0 : vector<16xi32> to vector<16xi32>
      tpu.vector_store %arg6[%swap3A_205], %swap3A_208 {strides = array<i32>} : memref<128xi32, #tpu.memory_space<vmem>>, vector<16xi32>,
      %mul3A_209 = arith.constant 8 : i32
      %mul3A_210 = arith.muli %arg1, %mul3A_209 : i32
      %add3A_211 = arith.constant 1 : i32
      %add3A_212 = arith.addi %mul3A_210, %add3A_211 : i32
      %mul3A_213 = arith.constant 16 : i32
      %mul3A_214 = arith.muli %add3A_212, %mul3A_213 : i32
      %add3A_215 = vector.broadcast %mul3A_214 : i32 to vector<16xi32>
      %add3A_216 = arith.addi %iota3A, %add3A_215 : vector<16xi32>
      %swap3A_217 = arith.constant 16 : index
      %swap3A_218 = tpu.vector_load %arg7[%swap3A_217] {strides = array<i32>} : memref<128xi32, #tpu.memory_space<vmem>>, vector<16xi32>,
      %swap3A_219 = vector.shape_cast %swap3A_218 : vector<16xi32> to vector<16xi32>
      %swap3A_220 = vector.shape_cast %add3A_216 : vector<16xi32> to vector<16xi32>
      tpu.vector_store %arg7[%swap3A_217], %swap3A_220 {strides = array<i32>} : memref<128xi32, #tpu.memory_space<vmem>>, vector<16xi32>,
      %swap3A_221 = arith.constant 32 : index
      %swap3A_222 = tpu.vector_load %arg6[%swap3A_221] {strides = array<i32>} : memref<128xi32, #tpu.memory_space<vmem>>, vector<16xi32>,
      %swap3A_223 = vector.shape_cast %swap3A_222 : vector<16xi32> to vector<16xi32>
      %swap3A_224 = vector.shape_cast %broadcast_in_dim3A_0 : vector<16xi32> to vector<16xi32>
      tpu.vector_store %arg6[%swap3A_221], %swap3A_224 {strides = array<i32>} : memref<128xi32, #tpu.memory_space<vmem>>, vector<16xi32>,
      %mul3A_225 = arith.constant 8 : i32
      %mul3A_226 = arith.muli %arg1, %mul3A_225 : i32
      %add3A_227 = arith.constant 2 : i32
      %add3A_228 = arith.addi %mul3A_226, %add3A_227 : i32
      %mul3A_229 = arith.constant 16 : i32
      %mul3A_230 = arith.muli %add3A_228, %mul3A_229 : i32
      %add3A_231 = vector.broadcast %mul3A_230 : i32 to vector<16xi32>
      %add3A_232 = arith.addi %iota3A, %add3A_231 : vector<16xi32>
      %swap3A_233 = arith.constant 32 : index
      %swap3A_234 = tpu.vector_load %arg7[%swap3A_233] {strides = array<i32>} : memref<128xi32, #tpu.memory_space<vmem>>, vector<16xi32>,
      %swap3A_235 = vector.shape_cast %swap3A_234 : vector<16xi32> to vector<16xi32>
      %swap3A_236 = vector.shape_cast %add3A_232 : vector<16xi32> to vector<16xi32>
      tpu.vector_store %arg7[%swap3A_233], %swap3A_236 {strides = array<i32>} : memref<128xi32, #tpu.memory_space<vmem>>, vector<16xi32>,
      %swap3A_237 = arith.constant 48 : index
      %swap3A_238 = tpu.vector_load %arg6[%swap3A_237] {strides = array<i32>} : memref<128xi32, #tpu.memory_space<vmem>>, vector<16xi32>,
      %swap3A_239 = vector.shape_cast %swap3A_238 : vector<16xi32> to vector<16xi32>
      %swap3A_240 = vector.shape_cast %broadcast_in_dim3A_0 : vector<16xi32> to vector<16xi32>
      tpu.vector_store %arg6[%swap3A_237], %swap3A_240 {strides = array<i32>} : memref<128xi32, #tpu.memory_space<vmem>>, vector<16xi32>,
      %mul3A_241 = arith.constant 8 : i32
      %mul3A_242 = arith.muli %arg1, %mul3A_241 : i32
      %add3A_243 = arith.constant 3 : i32
      %add3A_244 = arith.addi %mul3A_242, %add3A_243 : i32
      %mul3A_245 = arith.constant 16 : i32
      %mul3A_246 = arith.muli %add3A_244, %mul3A_245 : i32
      %add3A_247 = vector.broadcast %mul3A_246 : i32 to vector<16xi32>
      %add3A_248 = arith.addi %iota3A, %add3A_247 : vector<16xi32>
      %swap3A_249 = arith.constant 48 : index
      %swap3A_250 = tpu.vector_load %arg7[%swap3A_249] {strides = array<i32>} : memref<128xi32, #tpu.memory_space<vmem>>, vector<16xi32>,
      %swap3A_251 = vector.shape_cast %swap3A_250 : vector<16xi32> to vector<16xi32>
      %swap3A_252 = vector.shape_cast %add3A_248 : vector<16xi32> to vector<16xi32>
      tpu.vector_store %arg7[%swap3A_249], %swap3A_252 {strides = array<i32>} : memref<128xi32, #tpu.memory_space<vmem>>, vector<16xi32>,
      %swap3A_253 = arith.constant 64 : index
      %swap3A_254 = tpu.vector_load %arg6[%swap3A_253] {strides = array<i32>} : memref<128xi32, #tpu.memory_space<vmem>>, vector<16xi32>,
      %swap3A_255 = vector.shape_cast %swap3A_254 : vector<16xi32> to vector<16xi32>
      %swap3A_256 = vector.shape_cast %broadcast_in_dim3A_0 : vector<16xi32> to vector<16xi32>
      tpu.vector_store %arg6[%swap3A_253], %swap3A_256 {strides = array<i32>} : memref<128xi32, #tpu.memory_space<vmem>>, vector<16xi32>,
      %mul3A_257 = arith.constant 8 : i32
      %mul3A_258 = arith.muli %arg1, %mul3A_257 : i32
      %add3A_259 = arith.constant 4 : i32
      %add3A_260 = arith.addi %mul3A_258, %add3A_259 : i32
      %mul3A_261 = arith.constant 16 : i32
      %mul3A_262 = arith.muli %add3A_260, %mul3A_261 : i32
      %add3A_263 = vector.broadcast %mul3A_262 : i32 to vector<16xi32>
      %add3A_264 = arith.addi %iota3A, %add3A_263 : vector<16xi32>
      %swap3A_265 = arith.constant 64 : index
      %swap3A_266 = tpu.vector_load %arg7[%swap3A_265] {strides = array<i32>} : memref<128xi32, #tpu.memory_space<vmem>>, vector<16xi32>,
      %swap3A_267 = vector.shape_cast %swap3A_266 : vector<16xi32> to vector<16xi32>
      %swap3A_268 = vector.shape_cast %add3A_264 : vector<16xi32> to vector<16xi32>
      tpu.vector_store %arg7[%swap3A_265], %swap3A_268 {strides = array<i32>} : memref<128xi32, #tpu.memory_space<vmem>>, vector<16xi32>,
      %swap3A_269 = arith.constant 80 : index
      %swap3A_270 = tpu.vector_load %arg6[%swap3A_269] {strides = array<i32>} : memref<128xi32, #tpu.memory_space<vmem>>, vector<16xi32>,
      %swap3A_271 = vector.shape_cast %swap3A_270 : vector<16xi32> to vector<16xi32>
      %swap3A_272 = vector.shape_cast %broadcast_in_dim3A_0 : vector<16xi32> to vector<16xi32>
      tpu.vector_store %arg6[%swap3A_269], %swap3A_272 {strides = array<i32>} : memref<128xi32, #tpu.memory_space<vmem>>, vector<16xi32>,
      %mul3A_273 = arith.constant 8 : i32
      %mul3A_274 = arith.muli %arg1, %mul3A_273 : i32
      %add3A_275 = arith.constant 5 : i32
      %add3A_276 = arith.addi %mul3A_274, %add3A_275 : i32
      %mul3A_277 = arith.constant 16 : i32
      %mul3A_278 = arith.muli %add3A_276, %mul3A_277 : i32
      %add3A_279 = vector.broadcast %mul3A_278 : i32 to vector<16xi32>
      %add3A_280 = arith.addi %iota3A, %add3A_279 : vector<16xi32>
      %swap3A_281 = arith.constant 80 : index
      %swap3A_282 = tpu.vector_load %arg7[%swap3A_281] {strides = array<i32>} : memref<128xi32, #tpu.memory_space<vmem>>, vector<16xi32>,
      %swap3A_283 = vector.shape_cast %swap3A_282 : vector<16xi32> to vector<16xi32>
      %swap3A_284 = vector.shape_cast %add3A_280 : vector<16xi32> to vector<16xi32>
      tpu.vector_store %arg7[%swap3A_281], %swap3A_284 {strides = array<i32>} : memref<128xi32, #tpu.memory_space<vmem>>, vector<16xi32>,
      %swap3A_285 = arith.constant 96 : index
      %swap3A_286 = tpu.vector_load %arg6[%swap3A_285] {strides = array<i32>} : memref<128xi32, #tpu.memory_space<vmem>>, vector<16xi32>,
      %swap3A_287 = vector.shape_cast %swap3A_286 : vector<16xi32> to vector<16xi32>
      %swap3A_288 = vector.shape_cast %broadcast_in_dim3A_0 : vector<16xi32> to vector<16xi32>
      tpu.vector_store %arg6[%swap3A_285], %swap3A_288 {strides = array<i32>} : memref<128xi32, #tpu.memory_space<vmem>>, vector<16xi32>,
      %mul3A_289 = arith.constant 8 : i32
      %mul3A_290 = arith.muli %arg1, %mul3A_289 : i32
      %add3A_291 = arith.constant 6 : i32
      %add3A_292 = arith.addi %mul3A_290, %add3A_291 : i32
      %mul3A_293 = arith.constant 16 : i32
      %mul3A_294 = arith.muli %add3A_292, %mul3A_293 : i32
      %add3A_295 = vector.broadcast %mul3A_294 : i32 to vector<16xi32>
      %add3A_296 = arith.addi %iota3A, %add3A_295 : vector<16xi32>
      %swap3A_297 = arith.constant 96 : index
      %swap3A_298 = tpu.vector_load %arg7[%swap3A_297] {strides = array<i32>} : memref<128xi32, #tpu.memory_space<vmem>>, vector<16xi32>,
      %swap3A_299 = vector.shape_cast %swap3A_298 : vector<16xi32> to vector<16xi32>
      %swap3A_300 = vector.shape_cast %add3A_296 : vector<16xi32> to vector<16xi32>
      tpu.vector_store %arg7[%swap3A_297], %swap3A_300 {strides = array<i32>} : memref<128xi32, #tpu.memory_space<vmem>>, vector<16xi32>,
      %swap3A_301 = arith.constant 112 : index
      %swap3A_302 = tpu.vector_load %arg6[%swap3A_301] {strides = array<i32>} : memref<128xi32, #tpu.memory_space<vmem>>, vector<16xi32>,
      %swap3A_303 = vector.shape_cast %swap3A_302 : vector<16xi32> to vector<16xi32>
      %swap3A_304 = vector.shape_cast %broadcast_in_dim3A_0 : vector<16xi32> to vector<16xi32>
      tpu.vector_store %arg6[%swap3A_301], %swap3A_304 {strides = array<i32>} : memref<128xi32, #tpu.memory_space<vmem>>, vector<16xi32>,
      %mul3A_305 = arith.constant 8 : i32
      %mul3A_306 = arith.muli %arg1, %mul3A_305 : i32
      %add3A_307 = arith.constant 7 : i32
      %add3A_308 = arith.addi %mul3A_306, %add3A_307 : i32
      %mul3A_309 = arith.constant 16 : i32
      %mul3A_310 = arith.muli %add3A_308, %mul3A_309 : i32
      %add3A_311 = vector.broadcast %mul3A_310 : i32 to vector<16xi32>
      %add3A_312 = arith.addi %iota3A, %add3A_311 : vector<16xi32>
      %swap3A_313 = arith.constant 112 : index
      %swap3A_314 = tpu.vector_load %arg7[%swap3A_313] {strides = array<i32>} : memref<128xi32, #tpu.memory_space<vmem>>, vector<16xi32>,
      %swap3A_315 = vector.shape_cast %swap3A_314 : vector<16xi32> to vector<16xi32>
      %swap3A_316 = vector.shape_cast %add3A_312 : vector<16xi32> to vector<16xi32>
      tpu.vector_store %arg7[%swap3A_313], %swap3A_316 {strides = array<i32>} : memref<128xi32, #tpu.memory_space<vmem>>, vector<16xi32>,
      %barrier3A_317 = arith.constant 0 : index
      tpu.barrier barrier_id(%barrier3A_317)
      %mul3A_318 = arith.constant 800 : i32
      %mul3A_319 = arith.muli %arg1, %mul3A_318 : i32
      %mul3A_320 = arith.constant 800 : i32
      %mul3A_321 = arith.muli %arg1, %mul3A_320 : i32
      %add3A_322 = arith.addi %mul3A_11, %mul3A_321 : i32
      "tpu.region"() ({
        %run_scoped3A = tpu.sem_alloc : memref<!tpu.dma_semaphore, #tpu.memory_space<semaphore_mem>>
        %dma_start3A_324 = arith.constant 0 : i32
        %dma_start3A_325 = tpu.memref_slice %arg4[%add3A_322, %dma_start3A_324] : memref<102400x128xf32, #tpu.memory_space<hbm>> -> memref<800x128xf32, #tpu.memory_space<hbm>>
        %dma_start3A_326 = arith.constant 0 : i32
        %dma_start3A_327 = tpu.memref_slice %arg10[%mul3A_319, %dma_start3A_326] : memref<12816x128xf32, #tpu.memory_space<vmem_shared>> -> memref<800x128xf32, #tpu.memory_space<vmem_shared>>
        tpu.enqueue_dma source(%dma_start3A_327 : memref<800x128xf32, #tpu.memory_space<vmem_shared>>) target(%dma_start3A_325 : memref<800x128xf32, #tpu.memory_space<hbm>>) target_semaphore(%run_scoped3A : memref<!tpu.dma_semaphore, #tpu.memory_space<semaphore_mem>>)
        %dma_wait3A_328 = arith.constant 0 : i32
        %dma_wait3A_329 = tpu.memref_slice %arg4[%add3A_322, %dma_wait3A_328] : memref<102400x128xf32, #tpu.memory_space<hbm>> -> memref<800x128xf32, #tpu.memory_space<hbm>>
        %dma_wait3A_330 = arith.constant 0 : i32
        %dma_wait3A_331 = tpu.memref_slice %arg10[%mul3A_319, %dma_wait3A_330] : memref<12816x128xf32, #tpu.memory_space<vmem_shared>> -> memref<800x128xf32, #tpu.memory_space<vmem_shared>>
        tpu.wait_dma2 semaphore(%run_scoped3A : memref<!tpu.dma_semaphore, #tpu.memory_space<semaphore_mem>>) src(%dma_wait3A_331 : memref<800x128xf32, #tpu.memory_space<vmem_shared>>) dst(%dma_wait3A_329 : memref<800x128xf32, #tpu.memory_space<hbm>>)
        tpu.yield
      }) : () -> ()
      %scan3A_323 = arith.constant 0 : i32
      scf.yield %scan3A_323 : i32
    }
    %scan3A_6 = arith.constant 4 : i32
    return
  }
}

module attributes {stable_mosaic.version = 14 : i64} {
  func.func @_edge_payload_body(%arg0: i32, %arg1: memref<4000x128xf32, #tpu.memory_space<vmem>>, %arg2: memref<4000x128xf32, #tpu.memory_space<vmem>>, %arg3: memref<128x32xf32, #tpu.memory_space<vmem>>, %arg4: memref<128x32xf32, #tpu.memory_space<vmem>>, %arg5: memref<128x64xf32, #tpu.memory_space<vmem>>, %arg6: memref<2x32xf32, #tpu.memory_space<vmem>>, %arg7: memref<32x64xf32, #tpu.memory_space<vmem>>, %arg8: memref<4000x128xf32, #tpu.memory_space<vmem>>) attributes {dimension_semantics = [#tpu.dimension_semantics<arbitrary>], iteration_bounds = array<i64: 400>, scalar_prefetch = 0 : i64, scratch_operands = 0 : i64, tpu.core_type = #tpu.core_type<tc>, window_params = [{transform_indices = @transform_0, window_bounds = array<i64: 4000, 128>}, {transform_indices = @transform_1, window_bounds = array<i64: 4000, 128>}, {pipeline_mode = #tpu.pipeline_mode<synchronous>, transform_indices = @transform_2, window_bounds = array<i64: 128, 32>}, {pipeline_mode = #tpu.pipeline_mode<synchronous>, transform_indices = @transform_3, window_bounds = array<i64: 128, 32>}, {pipeline_mode = #tpu.pipeline_mode<synchronous>, transform_indices = @transform_4, window_bounds = array<i64: 128, 64>}, {pipeline_mode = #tpu.pipeline_mode<synchronous>, transform_indices = @transform_5, window_bounds = array<i64: 2, 32>}, {pipeline_mode = #tpu.pipeline_mode<synchronous>, transform_indices = @transform_6, window_bounds = array<i64: 32, 64>}, {transform_indices = @transform_7, window_bounds = array<i64: 4000, 128>}]} {
    %get3A = arith.constant 0 : index
    %get3A_0 = arith.constant 0 : index
    %get3A_1 = vector.load %arg1[%get3A, %get3A_0] : memref<4000x128xf32, #tpu.memory_space<vmem>>, vector<4000x128xf32>
    %get3A_2 = arith.constant 0 : index
    %get3A_3 = arith.constant 0 : index
    %get3A_4 = vector.load %arg2[%get3A_2, %get3A_3] : memref<4000x128xf32, #tpu.memory_space<vmem>>, vector<4000x128xf32>
    %iota3A = tpu.iota {dimensions = array<i32: 1>} : vector<1x128xi32>
    %lt3A = arith.constant 16 : i32
    %lt3A_5 = vector.broadcast %lt3A : i32 to vector<1x128xi32>
    %lt3A_6 = arith.cmpi slt, %iota3A, %lt3A_5 : vector<1x128xi32>
    %convert_element_type3A = arith.extui %lt3A_6 : vector<1x128xi1> to vector<1x128xi32>
    %convert_element_type3A_7 = arith.sitofp %convert_element_type3A : vector<1x128xi32> to vector<1x128xf32>
    %sub3A = arith.subf %get3A_1, %get3A_4 : vector<4000x128xf32>
    %mul3A = vector.broadcast %convert_element_type3A_7 : vector<1x128xf32> to vector<4000x128xf32>
    %mul3A_8 = arith.mulf %sub3A, %mul3A : vector<4000x128xf32>
    %mul3A_9 = arith.mulf %mul3A_8, %mul3A_8 : vector<4000x128xf32>
    %reduce_sum3A = arith.constant dense<0.000000e+00> : vector<4000xf32>
    %reduce_sum3A_10 = vector.multi_reduction <add>, %mul3A_9, %reduce_sum3A [1] : vector<4000x128xf32> to vector<4000xf32>
    %broadcast_in_dim3A = vector.shape_cast %reduce_sum3A_10 : vector<4000xf32> to vector<4000x1xf32>
    %sqrt3A = math.sqrt %broadcast_in_dim3A : vector<4000x1xf32>
    %get3A_11 = arith.constant 0 : index
    %get3A_12 = arith.constant 0 : index
    %get3A_13 = vector.load %arg3[%get3A_11, %get3A_12] : memref<128x32xf32, #tpu.memory_space<vmem>>, vector<128x32xf32>
    %dot_general3A = arith.constant dense<0.000000e+00> : vector<4000x32xf32>
    %dot_general3A_14 = tpu.matmul %get3A_1, %get3A_13, %dot_general3A {dimension_numbers = #tpu.dot_dimension_numbers<[1], [0], [0], [1], [0, 0, 1, 1], [], []>, transpose_lhs_hint = false} : vector<4000x128xf32>, vector<128x32xf32>, vector<4000x32xf32> -> vector<4000x32xf32>
    %get3A_15 = arith.constant 0 : index
    %get3A_16 = arith.constant 0 : index
    %get3A_17 = vector.load %arg4[%get3A_15, %get3A_16] : memref<128x32xf32, #tpu.memory_space<vmem>>, vector<128x32xf32>
    %dot_general3A_18 = arith.constant dense<0.000000e+00> : vector<4000x32xf32>
    %dot_general3A_19 = tpu.matmul %get3A_4, %get3A_17, %dot_general3A_18 {dimension_numbers = #tpu.dot_dimension_numbers<[1], [0], [0], [1], [0, 0, 1, 1], [], []>, transpose_lhs_hint = false} : vector<4000x128xf32>, vector<128x32xf32>, vector<4000x32xf32> -> vector<4000x32xf32>
    %add3A = arith.addf %dot_general3A_14, %dot_general3A_19 : vector<4000x32xf32>
    %get3A_20 = arith.constant 0 : index
    %get3A_21 = arith.constant 0 : index
    %get3A_22 = vector.load %arg6[%get3A_20, %get3A_21] : memref<2x32xf32, #tpu.memory_space<vmem>>, vector<1x32xf32>
    %mul3A_23 = vector.broadcast %sqrt3A : vector<4000x1xf32> to vector<4000x32xf32>
    %mul3A_24 = vector.broadcast %get3A_22 : vector<1x32xf32> to vector<4000x32xf32>
    %mul3A_25 = arith.mulf %mul3A_23, %mul3A_24 : vector<4000x32xf32>
    %add3A_26 = arith.addf %add3A, %mul3A_25 : vector<4000x32xf32>
    %get3A_27 = arith.constant 1 : index
    %get3A_28 = arith.constant 0 : index
    %get3A_29 = vector.load %arg6[%get3A_27, %get3A_28] : memref<2x32xf32, #tpu.memory_space<vmem>>, vector<1x32xf32>
    %add3A_30 = vector.broadcast %get3A_29 : vector<1x32xf32> to vector<4000x32xf32>
    %add3A_31 = arith.addf %add3A_26, %add3A_30 : vector<4000x32xf32>
    %max3A = arith.constant 0.000000e+00 : f32
    %max3A_32 = vector.broadcast %max3A : f32 to vector<4000x32xf32>
    %max3A_33 = arith.maximumf %add3A_31, %max3A_32 : vector<4000x32xf32>
    %get3A_34 = arith.constant 0 : index
    %get3A_35 = arith.constant 0 : index
    %get3A_36 = vector.load %arg5[%get3A_34, %get3A_35] : memref<128x64xf32, #tpu.memory_space<vmem>>, vector<128x64xf32>
    %dot_general3A_37 = arith.constant dense<0.000000e+00> : vector<4000x64xf32>
    %dot_general3A_38 = tpu.matmul %get3A_4, %get3A_36, %dot_general3A_37 {dimension_numbers = #tpu.dot_dimension_numbers<[1], [0], [0], [1], [0, 0, 1, 1], [], []>, transpose_lhs_hint = false} : vector<4000x128xf32>, vector<128x64xf32>, vector<4000x64xf32> -> vector<4000x64xf32>
    %get3A_39 = arith.constant 0 : index
    %get3A_40 = arith.constant 0 : index
    %get3A_41 = vector.load %arg7[%get3A_39, %get3A_40] : memref<32x64xf32, #tpu.memory_space<vmem>>, vector<32x64xf32>
    %dot_general3A_42 = arith.constant dense<0.000000e+00> : vector<4000x64xf32>
    %dot_general3A_43 = tpu.matmul %max3A_33, %get3A_41, %dot_general3A_42 {dimension_numbers = #tpu.dot_dimension_numbers<[1], [0], [0], [1], [0, 0, 1, 1], [], []>, transpose_lhs_hint = false} : vector<4000x32xf32>, vector<32x64xf32>, vector<4000x64xf32> -> vector<4000x64xf32>
    %add3A_44 = arith.addf %dot_general3A_38, %dot_general3A_43 : vector<4000x64xf32>
    %exp3A = math.exp %add3A_44 : vector<4000x64xf32>
    %slice3A = vector.extract_strided_slice %get3A_4 {offsets = [0, 16], sizes = [4000, 32], strides = [1, 1]} : vector<4000x128xf32> to vector<4000x32xf32>
    %slice3A_45 = vector.extract_strided_slice %exp3A {offsets = [0, 0], sizes = [4000, 32], strides = [1, 1]} : vector<4000x64xf32> to vector<4000x32xf32>
    %mul3A_46 = arith.mulf %slice3A_45, %slice3A : vector<4000x32xf32>
    %swap3A = arith.constant 0 : index
    %swap3A_47 = arith.constant 0 : index
    %swap3A_48 = vector.load %arg8[%swap3A, %swap3A_47] : memref<4000x128xf32, #tpu.memory_space<vmem>>, vector<4000x32xf32>
    tpu.vector_store %arg8[%swap3A, %swap3A_47], %mul3A_46 {strides = array<i32>} : memref<4000x128xf32, #tpu.memory_space<vmem>>, vector<4000x32xf32>,
    %slice3A_49 = vector.extract_strided_slice %exp3A {offsets = [0, 32], sizes = [4000, 32], strides = [1, 1]} : vector<4000x64xf32> to vector<4000x32xf32>
    %mul3A_50 = arith.mulf %slice3A_49, %max3A_33 : vector<4000x32xf32>
    %swap3A_51 = arith.constant 0 : index
    %swap3A_52 = arith.constant 32 : index
    %swap3A_53 = vector.load %arg8[%swap3A_51, %swap3A_52] : memref<4000x128xf32, #tpu.memory_space<vmem>>, vector<4000x32xf32>
    tpu.vector_store %arg8[%swap3A_51, %swap3A_52], %mul3A_50 {strides = array<i32>} : memref<4000x128xf32, #tpu.memory_space<vmem>>, vector<4000x32xf32>,
    %swap3A_54 = arith.constant 0 : index
    %swap3A_55 = arith.constant 64 : index
    %swap3A_56 = vector.load %arg8[%swap3A_54, %swap3A_55] : memref<4000x128xf32, #tpu.memory_space<vmem>>, vector<4000x64xf32>
    tpu.vector_store %arg8[%swap3A_54, %swap3A_55], %exp3A {strides = array<i32>} : memref<4000x128xf32, #tpu.memory_space<vmem>>, vector<4000x64xf32>,
    return
  }
  func.func @transform_0(%arg0: i32) -> (i32, i32) {
    %c0_i32 = arith.constant 0 : i32
    %c0_i32_0 = arith.constant 0 : i32
    return %arg0, %c0_i32 : i32, i32
  }
  func.func @transform_1(%arg0: i32) -> (i32, i32) {
    %c0_i32 = arith.constant 0 : i32
    %c0_i32_0 = arith.constant 0 : i32
    return %arg0, %c0_i32 : i32, i32
  }
  func.func @transform_2(%arg0: i32) -> (i32, i32) {
    %c0_i32 = arith.constant 0 : i32
    %c0_i32_0 = arith.constant 0 : i32
    %c0_i32_1 = arith.constant 0 : i32
    return %c0_i32, %c0_i32_0 : i32, i32
  }
  func.func @transform_3(%arg0: i32) -> (i32, i32) {
    %c0_i32 = arith.constant 0 : i32
    %c0_i32_0 = arith.constant 0 : i32
    %c0_i32_1 = arith.constant 0 : i32
    return %c0_i32, %c0_i32_0 : i32, i32
  }
  func.func @transform_4(%arg0: i32) -> (i32, i32) {
    %c0_i32 = arith.constant 0 : i32
    %c0_i32_0 = arith.constant 0 : i32
    %c0_i32_1 = arith.constant 0 : i32
    return %c0_i32, %c0_i32_0 : i32, i32
  }
  func.func @transform_5(%arg0: i32) -> (i32, i32) {
    %c0_i32 = arith.constant 0 : i32
    %c0_i32_0 = arith.constant 0 : i32
    %c0_i32_1 = arith.constant 0 : i32
    return %c0_i32, %c0_i32_0 : i32, i32
  }
  func.func @transform_6(%arg0: i32) -> (i32, i32) {
    %c0_i32 = arith.constant 0 : i32
    %c0_i32_0 = arith.constant 0 : i32
    %c0_i32_1 = arith.constant 0 : i32
    return %c0_i32, %c0_i32_0 : i32, i32
  }
  func.func @transform_7(%arg0: i32) -> (i32, i32) {
    %c0_i32 = arith.constant 0 : i32
    %c0_i32_0 = arith.constant 0 : i32
    return %arg0, %c0_i32 : i32, i32
  }
}

module attributes {stable_mosaic.version = 14 : i64} {
  func.func @_final_body(%arg0: i32, %arg1: memref<4000x128xf32, #tpu.memory_space<vmem>>, %arg2: memref<64x32xf32, #tpu.memory_space<vmem>>, %arg3: memref<1x32xf32, #tpu.memory_space<vmem>>, %arg4: memref<4000x32xf32, #tpu.memory_space<vmem>>) attributes {dimension_semantics = [#tpu.dimension_semantics<arbitrary>], iteration_bounds = array<i64: 25>, scalar_prefetch = 0 : i64, scratch_operands = 0 : i64, tpu.core_type = #tpu.core_type<tc>, window_params = [{transform_indices = @transform_0, window_bounds = array<i64: 4000, 128>}, {pipeline_mode = #tpu.pipeline_mode<synchronous>, transform_indices = @transform_1, window_bounds = array<i64: 64, 32>}, {pipeline_mode = #tpu.pipeline_mode<synchronous>, transform_indices = @transform_2, window_bounds = array<i64: 1, 32>}, {transform_indices = @transform_3, window_bounds = array<i64: 4000, 32>}]} {
    %get3A = arith.constant 0 : index
    %get3A_0 = arith.constant 0 : index
    %get3A_1 = vector.load %arg1[%get3A, %get3A_0] : memref<4000x128xf32, #tpu.memory_space<vmem>>, vector<4000x128xf32>
    %slice3A = vector.extract_strided_slice %get3A_1 {offsets = [0, 0], sizes = [4000, 64], strides = [1, 1]} : vector<4000x128xf32> to vector<4000x64xf32>
    %slice3A_2 = vector.extract_strided_slice %get3A_1 {offsets = [0, 64], sizes = [4000, 64], strides = [1, 1]} : vector<4000x128xf32> to vector<4000x64xf32>
    %add3A = arith.constant 9.99999968E-21 : f32
    %add3A_3 = vector.broadcast %add3A : f32 to vector<4000x64xf32>
    %add3A_4 = arith.addf %slice3A_2, %add3A_3 : vector<4000x64xf32>
    %div3A = arith.divf %slice3A, %add3A_4 : vector<4000x64xf32>
    %get3A_5 = arith.constant 0 : index
    %get3A_6 = arith.constant 0 : index
    %get3A_7 = vector.load %arg2[%get3A_5, %get3A_6] : memref<64x32xf32, #tpu.memory_space<vmem>>, vector<64x32xf32>
    %dot_general3A = arith.constant dense<0.000000e+00> : vector<4000x32xf32>
    %dot_general3A_8 = tpu.matmul %div3A, %get3A_7, %dot_general3A {dimension_numbers = #tpu.dot_dimension_numbers<[1], [0], [0], [1], [0, 0, 1, 1], [], []>, transpose_lhs_hint = false} : vector<4000x64xf32>, vector<64x32xf32>, vector<4000x32xf32> -> vector<4000x32xf32>
    %get3A_9 = arith.constant 0 : index
    %get3A_10 = arith.constant 0 : index
    %get3A_11 = vector.load %arg3[%get3A_9, %get3A_10] : memref<1x32xf32, #tpu.memory_space<vmem>>, vector<1x32xf32>
    %add3A_12 = vector.broadcast %get3A_11 : vector<1x32xf32> to vector<4000x32xf32>
    %add3A_13 = arith.addf %dot_general3A_8, %add3A_12 : vector<4000x32xf32>
    %max3A = arith.constant 0.000000e+00 : f32
    %max3A_14 = vector.broadcast %max3A : f32 to vector<4000x32xf32>
    %max3A_15 = arith.maximumf %add3A_13, %max3A_14 : vector<4000x32xf32>
    %swap3A = arith.constant 0 : index
    %swap3A_16 = arith.constant 0 : index
    %swap3A_17 = vector.load %arg4[%swap3A, %swap3A_16] : memref<4000x32xf32, #tpu.memory_space<vmem>>, vector<4000x32xf32>
    tpu.vector_store %arg4[%swap3A, %swap3A_16], %max3A_15 {strides = array<i32>} : memref<4000x32xf32, #tpu.memory_space<vmem>>, vector<4000x32xf32>,
    return
  }
  func.func @transform_0(%arg0: i32) -> (i32, i32) {
    %c0_i32 = arith.constant 0 : i32
    %c0_i32_0 = arith.constant 0 : i32
    return %arg0, %c0_i32 : i32, i32
  }
  func.func @transform_1(%arg0: i32) -> (i32, i32) {
    %c0_i32 = arith.constant 0 : i32
    %c0_i32_0 = arith.constant 0 : i32
    %c0_i32_1 = arith.constant 0 : i32
    return %c0_i32, %c0_i32_0 : i32, i32
  }
  func.func @transform_2(%arg0: i32) -> (i32, i32) {
    %c0_i32 = arith.constant 0 : i32
    %c0_i32_0 = arith.constant 0 : i32
    %c0_i32_1 = arith.constant 0 : i32
    return %c0_i32, %c0_i32_0 : i32, i32
  }
  func.func @transform_3(%arg0: i32) -> (i32, i32) {
    %c0_i32 = arith.constant 0 : i32
    %c0_i32_0 = arith.constant 0 : i32
    return %arg0, %c0_i32 : i32, i32
  }
}

</mosaic_0001>

<sc_bundles>
// kernel: kernel.6.cloned.1.call-start
scs
__scs_entry_jumppad:
0x0: {  	(pc) =	sbr.rel $0x88, $3  }
0x1: {  	(tag) =	ssettag $0x0;
	lr =	simm.s32 $0x1  }
0x2: {  	[smem:$0x3F99] =	sst lr;
	_ =	strace $0xD0000000  }
0x3: {  	_ = 	snop  }
0x4: {  	_ = 	snop  }
0x5: {  	_ = 	snop  }
0x6: {  	_ = 	snop  }
0x7: {  	_ = 	snop  }
__scs_overlays_trampoline_lowered:
0x8: {  	[smem:$0x3FA8] =	sst s0  }
0x9: {  	[smem:$0x3FA9] =	sst s1  }
0xa: {  	[smem:$0x3FAA] =	sst s2  }
0xb: {  	[smem:$0x3FAB] =	sst s3  }
0xc: {  	[smem:$0x3FAC] =	sst s4  }
0xd: {  	[smem:$0x3FAD] =	sst s5  }
0xe: {  	[smem:$0x3FAE] =	sst s6  }
0xf: {  	[smem:$0x3FAF] =	sst s7  }
0x10: {  	[smem:$0x3FB0] =	sst s8  }
0x11: {  	[smem:$0x3FB1] =	sst s9;
	s0 =	simm.s32 @!p0 $0x0  }
0x12: {  	s1 =	sld [smem:$0x3F97];
	s0 =	simm.s32 @p0 $0x1  }
0x13: {  	[smem:$0x3FB2] =	sst s0;
	s0 =	simm.s32 @!p1 $0x0  }
0x14: {  	s2 =	sld [smem:$0x3F96];
	s0 =	simm.s32 @p1 $0x1  }
0x15: {  	[smem:$0x3FB3] =	sst s0;
	s0 =	simm.s32 @!p2 $0x0  }
0x16: {  	s3 =	sld [smem:$0x3FDB];
	s0 =	simm.s32 @p2 $0x1  }
0x17: {  	s4 =	simm.s32 $0x1BF5;
	[smem:$0x3FB5] =	sst s0  }
0x18: {  	s0 =	sld [smem:$0x3F98];
	_ =	swait.ge [sflag:s4], $0x0  }
0x19: {  	s7 =	sld [smem:$0x3F99]  }
0x1a: {  	s8 =	sadd.s32 $0xFFFFE003, lr  }
0x1b: {  	s9 =	sadd.s32 $0xFFFFFEF7, lr;
	s5 =	simm.s32 $0xFFFFFFFF;
	p2 =	slt.u32 s8, $0xFFFFF086  }
0x1c: {  	p1 =	slt.u32 s9, $0xF7A;
	s5 =	simm.s32 @!p2 $0x0  }
0x1d: {  	s5 =	simm.s32 @p1 $0x1;
	p0 =	seq.s32 s7, s2  }
0x1e: {  	s7 =	smul.u32 @!p0 $0xF7A, s2;
	p2 =	seq.s32 @!p0 s5, $0x0  }
0x1f: {  	s9 =	smul.u32 $0xF7A, s1;
	s8 =	simm.s32 @!p0 $0x1BF5;
	p2 =	por !p2, p0  }
0x20: {  	[sflag:s8] =	ssyncset.s32 @!p0 $0xFFFFF086;
	s6 =	sadd.s32 @!p0 s3, s7;
	s7 =	simm.s32 @!p0 $0x108  }
0x21: {  	s3 =	sadd.s32 s3, s9;
	s6 =	sadd.s32 @!p0 $0x88, s6;
	s7 =	simm.s32 @p2 $0x1082  }
0x22: {  	[simem:s7], [sflag:s8] =	dma.local @!p0 [hbm:s6], $0xF7A  }
0x23: {  	s9 =	sor.u32 $0xD0000000, s2;
	s6 =	simm.s32 $0x108;
	_ =	swait.ge @!p0 [sflag:s8], $0x0  }
0x24: {  	s3 =	sadd.s32 $0x88, s3;
	s6 =	simm.s32 @!p1 $0x1082;
	[sflag:s4] =	ssyncset.s32 $0xFFFFF086  }
0x25: {  	[simem:s6], [sflag:s4] =	dma.local [hbm:s3], $0xF7A  }
0x26: {  	[smem:$0x3F99] =	sst s1;
	(tag) =	ssettag s2;
	_ =	strace s9  }
0x27: {  	s1 =	sld [smem:$0x3FA9]  }
0x28: {  	s2 =	sld [smem:$0x3FAA]  }
0x29: {  	s4 =	sld [smem:$0x3FAC]  }
0x2a: {  	p0 =	seq.s32 s5, $0x0;
	s5 =	sld [smem:$0x3FAD]  }
0x2b: {  	s6 =	sld [smem:$0x3FAE]  }
0x2c: {  	s7 =	sld [smem:$0x3FAF]  }
0x2d: {  	s3 =	simm.s32 $0x108;
	s8 =	sld [smem:$0x3FB0]  }
0x2e: {  	s3 =	simm.s32 @!p0 $0x1082;
	s9 =	sld [smem:$0x3FB1]  }
0x2f: {  	lr =	sadd.s32 s0, s3;
	s0 =	sld [smem:$0x3FA8]  }
0x30: {  	s3 =	sld [smem:$0x3FAB]  }
0x31: {  	[smem:$0x3FB4] =	sst s10  }
0x32: {  	s10 =	sld [smem:$0x3FB2];
	_ =	sdelay $0x3  }
0x33: {  	p0 =	seq.s32 s10, $0x1;
	s10 =	sld [smem:$0x3FB4];
	_ =	sdelay $0x3  }
0x34: {  	[smem:$0x3FB4] =	sst s10  }
0x35: {  	s10 =	sld [smem:$0x3FB3];
	_ =	sdelay $0x3  }
0x36: {  	p1 =	seq.s32 s10, $0x1;
	s10 =	sld [smem:$0x3FB4];
	_ =	sdelay $0x3  }
0x37: {  	[smem:$0x3FB4] =	sst s10  }
0x38: {  	s10 =	sld [smem:$0x3FB5]  }
0x39: {  	_ = 	snop;
	(pc) =	sbr.ind lr, $3  }
0x3a: {  	_ = 	snop  }
0x3b: {  	_ = 	snop  }
0x3c: {  	p2 =	seq.s32 s10, $0x1;
	s10 =	sld [smem:$0x3FB4]  }
0x3d: {  	_ =	shalt  }
0x3e: {  	_ =	shalt  }
0x3f: {  	_ =	shalt  }
0x40: {  	_ =	shalt  }
0x41: {  	_ =	shalt  }
0x42: {  	_ =	shalt  }
0x43: {  	_ =	shalt  }
0x44: {  	_ =	shalt  }
0x45: {  	_ =	shalt  }
0x46: {  	_ =	shalt  }
0x47: {  	_ =	shalt  }
0x48: {  	_ =	shalt  }
0x49: {  	_ =	shalt  }
0x4a: {  	_ =	shalt  }
0x4b: {  	_ =	shalt  }
0x4c: {  	_ =	shalt  }
0x4d: {  	_ =	shalt  }
0x4e: {  	_ =	shalt  }
0x4f: {  	_ =	shalt  }
0x50: {  	_ =	shalt  }
0x51: {  	_ =	shalt  }
0x52: {  	_ =	shalt  }
0x53: {  	_ =	shalt  }
0x54: {  	_ =	shalt  }
0x55: {  	_ =	shalt  }
0x56: {  	_ =	shalt  }
0x57: {  	_ =	shalt  }
0x58: {  	_ =	shalt  }
0x59: {  	_ =	shalt  }
0x5a: {  	_ =	shalt  }
0x5b: {  	_ =	shalt  }
0x5c: {  	_ =	shalt  }
0x5d: {  	_ =	shalt  }
0x5e: {  	_ =	shalt  }
0x5f: {  	_ =	shalt  }
0x60: {  	_ =	shalt  }
0x61: {  	_ =	shalt  }
0x62: {  	_ =	shalt  }
0x63: {  	_ =	shalt  }
0x64: {  	_ =	shalt  }
0x65: {  	_ =	shalt  }
0x66: {  	_ =	shalt  }
0x67: {  	_ =	shalt  }
0x68: {  	_ =	shalt  }
0x69: {  	_ =	shalt  }
0x6a: {  	_ =	shalt  }
0x6b: {  	_ =	shalt  }
0x6c: {  	_ =	shalt  }
0x6d: {  	_ =	shalt  }
0x6e: {  	_ =	shalt  }
0x6f: {  	_ =	shalt  }
0x70: {  	_ =	shalt  }
0x71: {  	_ =	shalt  }
0x72: {  	_ =	shalt  }
0x73: {  	_ =	shalt  }
0x74: {  	_ =	shalt  }
0x75: {  	_ =	shalt  }
0x76: {  	_ =	shalt  }
0x77: {  	_ =	shalt  }
0x78: {  	_ =	shalt  }
0x79: {  	_ =	shalt  }
0x7a: {  	_ =	shalt  }
0x7b: {  	_ =	shalt  }
0x7c: {  	_ =	shalt  }
0x7d: {  	_ =	shalt  }
0x7e: {  	_ =	shalt  }
0x7f: {  	_ =	shalt  }
0x80: {  	_ =	shalt  }
0x81: {  	_ =	shalt  }
0x82: {  	_ =	shalt  }
0x83: {  	_ =	shalt  }
0x84: {  	_ =	shalt  }
0x85: {  	_ =	shalt  }
0x86: {  	_ =	shalt  }
0x87: {  	_ =	shalt  }
.Lfunc_end0:
.L_simem_size_0:
called_computation_lowered:
.L_overlay_start_0:
0x88: {  	s2 =	sld [smem:$0x3FD9]  }
0x89: {  	s3 =	sld [smem:$0x3FFE];
	_ =	sdelay $0x1  }
0x8a: {  	s1 =	srdreg.scid  }
0x8b: {  	s0 =	sand.u32 $0x1, s1  }
0x8c: {  	s17 =	sshll.u32 s0, $0xA;
	s2 =	sadd.s32 s3, s2  }
0x8d: {  	s2 =	sadd.s32 s2, s17  }
0x8e: {  	[smem:$0x3FC0] =	sst s2  }
0x8f: {  	_ = 	snop  }
0x90: {  	s2 =	sld [smem:$0x3FD0];
	(tm) =	ssettm $0x1  }
0x91: {  	s18 =	sld [smem:$0x3FFB];
	_ =	sdelay $0x3  }
0x92: {  	_ =	strace s18  }
0x93: {  	s3 =	sld [smem:$0x3FFC];
	_ =	sdelay $0x3  }
0x94: {  	_ =	strace s3  }
0x95: {  	s3 =	sld [smem:$0x3FFD];
	_ =	sdelay $0x3  }
0x96: {  	_ =	strace s3  }
0x97: {  	_ =	strace $0x8FFFFFFF  }
0x98: {  	s19 =	sld [smem:$0x3FDB];
	_ =	sdelay $0x1  }
0x99: {  	s4 =	simm.s32 $_scs_section_size  }
0x9a: {  	s5 =	simm.s32 $_size__tile_overlayer_lowered;
	s6 =	simm.s32 $_tile_overlayer_lowered  }
0x9b: {  	s22 =	simm.s32 $0x1BFF;
	s21 =	sshll.u32 s6, $0x1;
	s3 =	sadd.s32 s4, s19  }
0x9c: {  	s7 =	simm.s32 $0x0;
	s20 =	sshll.u32 s5, $0x1;
	s5 =	sadd.s32 s21, s3  }
0x9d: {  	[timem:s7], [sflag:s22] =	dma.local [hbm:s5], s20  }
0x9e: {  	_ =	swait.ge [sflag:s22], s20  }
0x9f: {  	s4 =	ssub.s32 $0x0, s20;
	[sflag:s22] =	ssyncset.done $0x0  }
0xa0: {  	[sflag:s22] =	ssyncadd.s32 s4;
	_ =	sdelay $0x1  }
0xa1: {  	s23 =	simm.s32 $0x1B8B  }
0xa2: {  	_ =	swait.ge [sflag:s23], $0x1  }
0xa3: {  	[sflag:s23] =	ssyncset.done $0x0  }
0xa4: {  	s25 =	simm.s32 $0x1B8E;
	s24 =	sld [smem:$0x3FFE];
	[sflag:s23] =	ssyncadd.s32 $0xFFFFFFFF  }
0xa5: {  	s26 =	simm.s32 $execute0_lowered;
	[smem:$0x3FD2] =	sst s25  }
0xa6: {  	s5 =	sshll.u32 s26, $0x1;
	_ =	strace $0x80000046;
	[dreg:$0x1] =	wrdreg $0xFFFFFFFF  }
0xa7: {  	s28 =	simm.s32 $_size_execute0_lowered;
	s3 =	sadd.s32 s3, s5;
	[dreg:$0x0] =	wrdreg $0x0  }
0xa8: {  	s5 =	sshll.u32 s28, $0x1;
	[dreg:$0x2] =	wrdreg s3  }
0xa9: {  	[dreg:$0x3] =	wrdreg s5  }
0xaa: {  	[dreg:$0x4] =	wrdreg $0xC0  }
0xab: {  	_ =	task [dreg:s7], $0x5FFFF  }
0xac: {  	[dreg:$0x1] =	wrdreg $0xFFFFFFFF  }
0xad: {  	[dreg:$0x0] =	wrdreg $0x60  }
0xae: {  	[dreg:$0x2] =	wrdreg s24  }
0xaf: {  	[dreg:$0x3] =	wrdreg s2  }
0xb0: {  	[dreg:$0x4] =	wrdreg $0x9  }
0xb1: {  	_ =	task.clear_ibuf [dreg:s7], $0x5FFFF;
	_ =	strace $0x90000046  }
0xb2: {  	s29 =	simm.s32 $0x9;
	_ =	strace $0x80000048  }
0xb3: {  	_ =	swait.ge [sflag:s29], $0x1  }
0xb4: {  	[sflag:s29] =	ssyncadd.s32 $0xFFFFFFFF  }
0xb5: {  	_ =	strace $0x90000048  }
0xb6: {  	_ =	sfence  }
0xb7: {  	s30 =	sld [smem:$0x0];
	_ =	sdelay $0x2  }
0xb8: {  	s31 =	sshll.u32 s1, $0xD;
	s1 =	sshrl.u32 s1, $0x2  }
0xb9: {  	s3 =	sand.u32 $0x4000, s31;
	s1 =	sadd.s32 s1, s30  }
0xba: {  	s0 =	sor.u32 s3, s0;
	s1 =	sshll.u32 s1, $0x11  }
0xbb: {  	s0 =	sor.u32 s1, s0  }
0xbc: {  	s0 =	sadd.s32 $0x8F2B, s0  }
0xbd: {  	[sflag:s0] =	ssyncadd.remote.s32 $0x1  }
0xbe: {  	_ =	sfence.sel $0xFFFF  }
0xbf: {  	[dreg:$0x0] =	wrdreg $0xFFFFFFFF;
	(pc) =	sbr.abs _section_cstart, $3  }
0xc0: {  	[dreg:$0x1] =	wrdreg $0xFFFFFFFF  }
0xc1: {  	_ =	task.clear_ibuf [dreg:s7], $0x2FFFF;
	_ =	strace $0x9FFFFFFF  }
0xc2: {  	(tm) =	ssettm $0x7FFFFFFF  }
0xc3: {  	_ =	shalt  }
tec
execute0_lowered:
.L_overlay_start_1:
0x0: {  	(tag) =	ssettag $0x1  }
0x1: {  	s4 =	rddreg [dreg:$0x0]  }
0x2: {  	s7 =	rddreg [dreg:$0x1]  }
0x3: {  	s0 =	rddreg [dreg:$0x2];
	s2 =	simm.s32 $0x0  }
0x4: {  	s3 =	srdreg.scid;
	s1 =	stileid.u32;
	s12 =	simm.s32 $0x400  }
0x5: {  	s13 =	simm.s32 $0xCC00;
	s14 =	simm.s32 $0x1;
	s6 =	smul.u32 $0x186A0, s1  }
0x6: {  	s15 =	simm.s32 $0x0;
	s5 =	sand.u32 $0x1, s3;
	s9 =	smul.u32 $0x186A00, s1  }
0x7: {  	[smem:$0x7FF] =	sst s2;
	s3 =	sadd.s32 $0x340400, s4;
	s8 =	smul.u32 $0xC350, s5  }
0x8: {  	_ =	strace $0x80000047;
	s28 =	ssub.s32 $0x2, s5;
	s5 =	smul.u32 $0xC3500, s5  }
0x9: {  	s29 =	sadd.s32 s9, s4;
	s30 =	sshrl.u32 s28, $0x1;
	s6 =	sadd.s32 s8, s6  }
0xa: {  	s9 =	simm.s32 $0x2;
	s31 =	ssub.s32 s28, s30;
	s10 =	sshrl.u32 s6, $0x3  }
0xb: {  	s6 =	sadd.s32 s5, s29;
	s11 =	sadd.s32 s10, s4;
	s4 =	smax.u32 s31, $0x1  }
0xc: {  	s5 =	sadd.s32 $0x1D30E00, s6;
	s6 =	sadd.s32 $0x4C6E00, s6;
	s7 =	sadd.s32 s10, s7  }
0xd: {  	s10 =	simm.s32 $0x200;
	s8 =	sadd.s32 $0x2200, s11;
	s11 =	simm.s32 $0x190  }
.LBB2_1:
0xe: {  	s16 =	sadd.s32 $0x0, s8  }
0xf: {  	[tilespmem:s2], [sflag:$0x2] =	stream.linear.gather [hbm4b:s16+s2], $0x190, $0x38;
	[tilespmem:$0x19400] =	vst v63  }
0x10: {  	_ =	swait.ge [sflag:s9], $0x190  }
0x11: {  	[sflag:s9] =	ssyncset.done $0x0  }
0x12: {  	s31 =	sadd.s32 $0x0, s7;
	[sflag:s9] =	ssyncadd.s32 $0xFFFFFE70  }
0x13: {  	[tilespmem:s10], [sflag:$0x2] =	stream.linear.gather [hbm4b:s31+s2], $0x190, $0x38;
	[tilespmem:$0x19400] =	vst v63  }
0x14: {  	_ =	swait.ge [sflag:s9], $0x190  }
0x15: {  	[sflag:s9] =	ssyncset.done $0x0  }
0x16: {  	[sflag:s9] =	ssyncadd.s32 $0xFFFFFE70  }
0x17: {  	[tilespmem:s12], [sflag:$0x1] =	stream.indirect.gather [hbm4b:s3+s11], $0x80, s2, s11, $0xb8;
	[tilespmem:$0x19400] =	vst v63  }
0x18: {  	_ = 	snop  }
0x19: {  	[tilespmem:s13], [sflag:$0x1] =	stream.indirect.gather [hbm4b:s3+s11], $0x80, s10, s11, $0xb8;
	[tilespmem:$0x19400] =	vst v63  }
0x1a: {  	_ =	swait.ge [sflag:s14], $0xC800  }
0x1b: {  	[sflag:s14] =	ssyncset.done $0x0  }
0x1c: {  	[sflag:s14] =	ssyncadd.s32 $0xFFFF3800  }
0x1d: {  	_ =	swait.ge [sflag:s14], $0xC800  }
0x1e: {  	[sflag:s14] =	ssyncset.done $0x0  }
0x1f: {  	[sflag:s14] =	ssyncadd.s32 $0xFFFF3800  }
0x20: {  	[hbm4b:s5+s2] =	stream.linear.scatter [tilespmem:s12], [sflag:$0x2], $0xC800, $0x38;
	[tilespmem:$0x19400] =	vst v63  }
0x21: {  	_ =	swait.ge [sflag:s9], $0xC800  }
0x22: {  	[sflag:s9] =	ssyncset.done $0x0  }
0x23: {  	[sflag:s9] =	ssyncadd.s32 $0xFFFF3800  }
0x24: {  	[hbm4b:s6+s2] =	stream.linear.scatter [tilespmem:s13], [sflag:$0x2], $0xC800, $0x38;
	[tilespmem:$0x19400] =	vst v63  }
0x25: {  	s18 =	simm.s32 $0x32;
	s19 =	simm.s32 $0x64;
	_ =	swait.ge [sflag:s9], $0xC800  }
0x26: {  	s17 =	sadd.s32 $0x1900, s5;
	s16 =	sadd.s32 $0x1900, s6;
	[sflag:s9] =	ssyncset.done $0x0  }
.LBB2_2:
0x27: {  	s20 =	sadd.s32 s18, s8  }
0x28: {  	[sflag:s9] =	ssyncadd.s32 $0xFFFF3800;
	s21 =	smov.u32 s19;
	s22 =	sadd.s32 $0x32, s19  }
0x29: {  	[tilespmem:s2], [sflag:$0x2] =	stream.linear.gather [hbm4b:s20+s2], $0x190, $0x38;
	[tilespmem:$0x19400] =	vst v63  }
0x2a: {  	p0 =	sne.s32 s19, $0x1838;
	_ =	swait.ge [sflag:s9], $0x190  }
0x2b: {  	[sflag:s9] =	ssyncset.done $0x0  }
0x2c: {  	s19 =	sadd.s32 s18, s7;
	s18 =	smov.u32 s21;
	[sflag:s9] =	ssyncadd.s32 $0xFFFFFE70  }
0x2d: {  	[tilespmem:s10], [sflag:$0x2] =	stream.linear.gather [hbm4b:s19+s2], $0x190, $0x38;
	[tilespmem:$0x19400] =	vst v63  }
0x2e: {  	_ =	swait.ge [sflag:s9], $0x190  }
0x2f: {  	[sflag:s9] =	ssyncset.done $0x0  }
0x30: {  	[sflag:s9] =	ssyncadd.s32 $0xFFFFFE70  }
0x31: {  	[tilespmem:s12], [sflag:$0x1] =	stream.indirect.gather [hbm4b:s3+s11], $0x80, s2, s11, $0xb8;
	[tilespmem:$0x19400] =	vst v63  }
0x32: {  	_ = 	snop  }
0x33: {  	[tilespmem:s13], [sflag:$0x1] =	stream.indirect.gather [hbm4b:s3+s11], $0x80, s10, s11, $0xb8;
	[tilespmem:$0x19400] =	vst v63  }
0x34: {  	_ =	swait.ge [sflag:s14], $0xC800  }
0x35: {  	[sflag:s14] =	ssyncset.done $0x0  }
0x36: {  	[sflag:s14] =	ssyncadd.s32 $0xFFFF3800  }
0x37: {  	_ =	swait.ge [sflag:s14], $0xC800  }
0x38: {  	[sflag:s14] =	ssyncset.done $0x0  }
0x39: {  	[sflag:s14] =	ssyncadd.s32 $0xFFFF3800  }
0x3a: {  	[hbm4b:s17+s2] =	stream.linear.scatter [tilespmem:s12], [sflag:$0x2], $0xC800, $0x38;
	[tilespmem:$0x19400] =	vst v63  }
0x3b: {  	_ =	swait.ge [sflag:s9], $0xC800  }
.Ltmp0:
0x3c: {  	[sflag:s9] =	ssyncset.done $0x0;
	(pc) =	sbr.rel @p0 .LBB2_2-.Ltmp0, $4  }
0x3d: {  	[sflag:s9] =	ssyncadd.s32 $0xFFFF3800  }
0x3e: {  	[hbm4b:s16+s2] =	stream.linear.scatter [tilespmem:s13], [sflag:$0x2], $0xC800, $0x38;
	[tilespmem:$0x19400] =	vst v63  }
0x3f: {  	s19 =	smov.u32 s22;
	_ =	swait.ge [sflag:s9], $0xC800  }
0x40: {  	s17 =	sadd.s32 $0x1900, s17;
	s16 =	sadd.s32 $0x1900, s16;
	[sflag:s9] =	ssyncset.done $0x0  }
0x41: {  	s19 =	sadd.s32 s18, s8;
	[sflag:s9] =	ssyncadd.s32 $0xFFFF3800  }
0x42: {  	[tilespmem:s2], [sflag:$0x2] =	stream.linear.gather [hbm4b:s19+s2], $0x190, $0x38;
	[tilespmem:$0x19400] =	vst v63  }
0x43: {  	_ =	swait.ge [sflag:s9], $0x190  }
0x44: {  	[sflag:s9] =	ssyncset.done $0x0  }
0x45: {  	s31 =	sadd.s32 s18, s7;
	[sflag:s9] =	ssyncadd.s32 $0xFFFFFE70  }
0x46: {  	[tilespmem:s10], [sflag:$0x2] =	stream.linear.gather [hbm4b:s31+s2], $0x190, $0x38;
	[tilespmem:$0x19400] =	vst v63  }
0x47: {  	_ =	swait.ge [sflag:s9], $0x190  }
0x48: {  	[sflag:s9] =	ssyncset.done $0x0  }
0x49: {  	[sflag:s9] =	ssyncadd.s32 $0xFFFFFE70  }
0x4a: {  	[tilespmem:s12], [sflag:$0x1] =	stream.indirect.gather [hbm4b:s3+s11], $0x80, s2, s11, $0xb8;
	[tilespmem:$0x19400] =	vst v63  }
0x4b: {  	_ = 	snop  }
0x4c: {  	[tilespmem:s13], [sflag:$0x1] =	stream.indirect.gather [hbm4b:s3+s11], $0x80, s10, s11, $0xb8;
	[tilespmem:$0x19400] =	vst v63  }
0x4d: {  	_ =	swait.ge [sflag:s14], $0xC800  }
0x4e: {  	[sflag:s14] =	ssyncset.done $0x0  }
0x4f: {  	[sflag:s14] =	ssyncadd.s32 $0xFFFF3800  }
0x50: {  	_ =	swait.ge [sflag:s14], $0xC800  }
0x51: {  	[sflag:s14] =	ssyncset.done $0x0  }
0x52: {  	[sflag:s14] =	ssyncadd.s32 $0xFFFF3800  }
0x53: {  	[hbm4b:s17+s2] =	stream.linear.scatter [tilespmem:s12], [sflag:$0x2], $0xC800, $0x38;
	[tilespmem:$0x19400] =	vst v63  }
0x54: {  	s15 =	sadd.s32 $0x1, s15;
	_ =	swait.ge [sflag:s9], $0xC800  }
0x55: {  	p0 =	sne.s32 s15, s4;
	[sflag:s9] =	ssyncset.done $0x0  }
.Ltmp1:
0x56: {  	[sflag:s9] =	ssyncadd.s32 $0xFFFF3800;
	(pc) =	sbr.rel @p0 .LBB2_1-.Ltmp1, $4  }
0x57: {  	[hbm4b:s16+s2] =	stream.linear.scatter [tilespmem:s13], [sflag:$0x2], $0xC800, $0x38;
	[tilespmem:$0x19400] =	vst v63  }
0x58: {  	_ =	swait.ge [sflag:s9], $0xC800  }
0x59: {  	[sflag:s9] =	ssyncset.done $0x0  }
0x5a: {  	[sflag:s9] =	ssyncadd.s32 $0xFFFF3800  }
0x5b: {  	_ =	sfence.sel $0x180000  }
0x5c: {  	[bflag:$0x0] =	sbarrier.arrive $0xFFFF  }
0x5d: {  	p0 =	sne.s32 s1, $0x0;
	_ =	strace $0x90000047  }
0x5e: {  	s0 =	sadd.s32 @!p0 $0x100000, s0;
	[bflag:$0x2] =	sbarrier.arrive $0xFFFF  }
0x5f: {  	[sflag:s0] =	ssyncadd.tile.s32 @!p0 $0x1;
	_ =	shalt  }
.Lfunc_end2:
_tile_overlayer_lowered:
.L_overlay_start_2:
0x60: {  	(tag) =	ssettag $0x2  }
0x61: {  	s0 =	rddreg [dreg:$0x0];
	s2 =	stileid.u32  }
0x62: {  	s1 =	rddreg [dreg:$0x1];
	p0 =	sne.s32 s2, $0x0  }
0x63: {  	s3 =	rddreg [dreg:$0x2];
	[bflag:$0x3] =	sbarrier.arrive $0xFFFF;
	s2 =	simm.s32 @!p0 $0x1C02  }
0x64: {  	[timem:s3], [sflag:s2] =	dma.local @!p0 [hbm:s0], s1  }
0x65: {  	s0 =	simm.s32 @!p0 $0x2  }
0x66: {  	_ =	swait.ge @!p0 [sflag:s0], s1  }
0x67: {  	s1 =	ssub.s32 @!p0 $0x0, s1;
	[sflag:s0] =	ssyncset.done @!p0 $0x0  }
0x68: {  	[sflag:s0] =	ssyncadd.s32 @!p0 s1  }
0x69: {  	[bflag:$0x3] =	sbarrier.arrive $0xFFFF  }
0x6a: {  	_ =	shalt  }

// kernel: kernel.9.cloned.1.call-start
scs
__scs_entry_jumppad:
0x0: {  	(pc) =	sbr.rel $0x88, $3  }
0x1: {  	(tag) =	ssettag $0x0;
	lr =	simm.s32 $0x1  }
0x2: {  	[smem:$0x3F99] =	sst lr;
	_ =	strace $0xD0000000  }
0x3: {  	_ = 	snop  }
0x4: {  	_ = 	snop  }
0x5: {  	_ = 	snop  }
0x6: {  	_ = 	snop  }
0x7: {  	_ = 	snop  }
__scs_overlays_trampoline_lowered:
0x8: {  	[smem:$0x3FA8] =	sst s0  }
0x9: {  	[smem:$0x3FA9] =	sst s1  }
0xa: {  	[smem:$0x3FAA] =	sst s2  }
0xb: {  	[smem:$0x3FAB] =	sst s3  }
0xc: {  	[smem:$0x3FAC] =	sst s4  }
0xd: {  	[smem:$0x3FAD] =	sst s5  }
0xe: {  	[smem:$0x3FAE] =	sst s6  }
0xf: {  	[smem:$0x3FAF] =	sst s7  }
0x10: {  	[smem:$0x3FB0] =	sst s8  }
0x11: {  	[smem:$0x3FB1] =	sst s9;
	s0 =	simm.s32 @!p0 $0x0  }
0x12: {  	s1 =	sld [smem:$0x3F97];
	s0 =	simm.s32 @p0 $0x1  }
0x13: {  	[smem:$0x3FB2] =	sst s0;
	s0 =	simm.s32 @!p1 $0x0  }
0x14: {  	s2 =	sld [smem:$0x3F96];
	s0 =	simm.s32 @p1 $0x1  }
0x15: {  	[smem:$0x3FB3] =	sst s0;
	s0 =	simm.s32 @!p2 $0x0  }
0x16: {  	s3 =	sld [smem:$0x3FDB];
	s0 =	simm.s32 @p2 $0x1  }
0x17: {  	s4 =	simm.s32 $0x1BF5;
	[smem:$0x3FB5] =	sst s0  }
0x18: {  	s0 =	sld [smem:$0x3F98];
	_ =	swait.ge [sflag:s4], $0x0  }
0x19: {  	s7 =	sld [smem:$0x3F99]  }
0x1a: {  	s8 =	sadd.s32 $0xFFFFE003, lr  }
0x1b: {  	s9 =	sadd.s32 $0xFFFFFEF7, lr;
	s5 =	simm.s32 $0xFFFFFFFF;
	p2 =	slt.u32 s8, $0xFFFFF086  }
0x1c: {  	p1 =	slt.u32 s9, $0xF7A;
	s5 =	simm.s32 @!p2 $0x0  }
0x1d: {  	s5 =	simm.s32 @p1 $0x1;
	p0 =	seq.s32 s7, s2  }
0x1e: {  	s7 =	smul.u32 @!p0 $0xF7A, s2;
	p2 =	seq.s32 @!p0 s5, $0x0  }
0x1f: {  	s9 =	smul.u32 $0xF7A, s1;
	s8 =	simm.s32 @!p0 $0x1BF5;
	p2 =	por !p2, p0  }
0x20: {  	[sflag:s8] =	ssyncset.s32 @!p0 $0xFFFFF086;
	s6 =	sadd.s32 @!p0 s3, s7;
	s7 =	simm.s32 @!p0 $0x108  }
0x21: {  	s3 =	sadd.s32 s3, s9;
	s6 =	sadd.s32 @!p0 $0x88, s6;
	s7 =	simm.s32 @p2 $0x1082  }
0x22: {  	[simem:s7], [sflag:s8] =	dma.local @!p0 [hbm:s6], $0xF7A  }
0x23: {  	s9 =	sor.u32 $0xD0000000, s2;
	s6 =	simm.s32 $0x108;
	_ =	swait.ge @!p0 [sflag:s8], $0x0  }
0x24: {  	s3 =	sadd.s32 $0x88, s3;
	s6 =	simm.s32 @!p1 $0x1082;
	[sflag:s4] =	ssyncset.s32 $0xFFFFF086  }
0x25: {  	[simem:s6], [sflag:s4] =	dma.local [hbm:s3], $0xF7A  }
0x26: {  	[smem:$0x3F99] =	sst s1;
	(tag) =	ssettag s2;
	_ =	strace s9  }
0x27: {  	s1 =	sld [smem:$0x3FA9]  }
0x28: {  	s2 =	sld [smem:$0x3FAA]  }
0x29: {  	s4 =	sld [smem:$0x3FAC]  }
0x2a: {  	p0 =	seq.s32 s5, $0x0;
	s5 =	sld [smem:$0x3FAD]  }
0x2b: {  	s6 =	sld [smem:$0x3FAE]  }
0x2c: {  	s7 =	sld [smem:$0x3FAF]  }
0x2d: {  	s3 =	simm.s32 $0x108;
	s8 =	sld [smem:$0x3FB0]  }
0x2e: {  	s3 =	simm.s32 @!p0 $0x1082;
	s9 =	sld [smem:$0x3FB1]  }
0x2f: {  	lr =	sadd.s32 s0, s3;
	s0 =	sld [smem:$0x3FA8]  }
0x30: {  	s3 =	sld [smem:$0x3FAB]  }
0x31: {  	[smem:$0x3FB4] =	sst s10  }
0x32: {  	s10 =	sld [smem:$0x3FB2];
	_ =	sdelay $0x3  }
0x33: {  	p0 =	seq.s32 s10, $0x1;
	s10 =	sld [smem:$0x3FB4];
	_ =	sdelay $0x3  }
0x34: {  	[smem:$0x3FB4] =	sst s10  }
0x35: {  	s10 =	sld [smem:$0x3FB3];
	_ =	sdelay $0x3  }
0x36: {  	p1 =	seq.s32 s10, $0x1;
	s10 =	sld [smem:$0x3FB4];
	_ =	sdelay $0x3  }
0x37: {  	[smem:$0x3FB4] =	sst s10  }
0x38: {  	s10 =	sld [smem:$0x3FB5]  }
0x39: {  	_ = 	snop;
	(pc) =	sbr.ind lr, $3  }
0x3a: {  	_ = 	snop  }
0x3b: {  	_ = 	snop  }
0x3c: {  	p2 =	seq.s32 s10, $0x1;
	s10 =	sld [smem:$0x3FB4]  }
0x3d: {  	_ =	shalt  }
0x3e: {  	_ =	shalt  }
0x3f: {  	_ =	shalt  }
0x40: {  	_ =	shalt  }
0x41: {  	_ =	shalt  }
0x42: {  	_ =	shalt  }
0x43: {  	_ =	shalt  }
0x44: {  	_ =	shalt  }
0x45: {  	_ =	shalt  }
0x46: {  	_ =	shalt  }
0x47: {  	_ =	shalt  }
0x48: {  	_ =	shalt  }
0x49: {  	_ =	shalt  }
0x4a: {  	_ =	shalt  }
0x4b: {  	_ =	shalt  }
0x4c: {  	_ =	shalt  }
0x4d: {  	_ =	shalt  }
0x4e: {  	_ =	shalt  }
0x4f: {  	_ =	shalt  }
0x50: {  	_ =	shalt  }
0x51: {  	_ =	shalt  }
0x52: {  	_ =	shalt  }
0x53: {  	_ =	shalt  }
0x54: {  	_ =	shalt  }
0x55: {  	_ =	shalt  }
0x56: {  	_ =	shalt  }
0x57: {  	_ =	shalt  }
0x58: {  	_ =	shalt  }
0x59: {  	_ =	shalt  }
0x5a: {  	_ =	shalt  }
0x5b: {  	_ =	shalt  }
0x5c: {  	_ =	shalt  }
0x5d: {  	_ =	shalt  }
0x5e: {  	_ =	shalt  }
0x5f: {  	_ =	shalt  }
0x60: {  	_ =	shalt  }
0x61: {  	_ =	shalt  }
0x62: {  	_ =	shalt  }
0x63: {  	_ =	shalt  }
0x64: {  	_ =	shalt  }
0x65: {  	_ =	shalt  }
0x66: {  	_ =	shalt  }
0x67: {  	_ =	shalt  }
0x68: {  	_ =	shalt  }
0x69: {  	_ =	shalt  }
0x6a: {  	_ =	shalt  }
0x6b: {  	_ =	shalt  }
0x6c: {  	_ =	shalt  }
0x6d: {  	_ =	shalt  }
0x6e: {  	_ =	shalt  }
0x6f: {  	_ =	shalt  }
0x70: {  	_ =	shalt  }
0x71: {  	_ =	shalt  }
0x72: {  	_ =	shalt  }
0x73: {  	_ =	shalt  }
0x74: {  	_ =	shalt  }
0x75: {  	_ =	shalt  }
0x76: {  	_ =	shalt  }
0x77: {  	_ =	shalt  }
0x78: {  	_ =	shalt  }
0x79: {  	_ =	shalt  }
0x7a: {  	_ =	shalt  }
0x7b: {  	_ =	shalt  }
0x7c: {  	_ =	shalt  }
0x7d: {  	_ =	shalt  }
0x7e: {  	_ =	shalt  }
0x7f: {  	_ =	shalt  }
0x80: {  	_ =	shalt  }
0x81: {  	_ =	shalt  }
0x82: {  	_ =	shalt  }
0x83: {  	_ =	shalt  }
0x84: {  	_ =	shalt  }
0x85: {  	_ =	shalt  }
0x86: {  	_ =	shalt  }
0x87: {  	_ =	shalt  }
.Lfunc_end0:
.L_simem_size_0:
called_computation.1_lowered:
.L_overlay_start_0:
0x88: {  	s2 =	sld [smem:$0x3FD9]  }
0x89: {  	s3 =	sld [smem:$0x3FFE];
	_ =	sdelay $0x1  }
0x8a: {  	s1 =	srdreg.scid  }
0x8b: {  	s0 =	sand.u32 $0x1, s1  }
0x8c: {  	s17 =	sshll.u32 s0, $0xA;
	s2 =	sadd.s32 s3, s2  }
0x8d: {  	s2 =	sadd.s32 s2, s17  }
0x8e: {  	[smem:$0x3FC0] =	sst s2  }
0x8f: {  	_ = 	snop  }
0x90: {  	s2 =	sld [smem:$0x3FD0];
	(tm) =	ssettm $0x1  }
0x91: {  	s18 =	sld [smem:$0x3FFB];
	_ =	sdelay $0x3  }
0x92: {  	_ =	strace s18  }
0x93: {  	s3 =	sld [smem:$0x3FFC];
	_ =	sdelay $0x3  }
0x94: {  	_ =	strace s3  }
0x95: {  	s3 =	sld [smem:$0x3FFD];
	_ =	sdelay $0x3  }
0x96: {  	_ =	strace s3  }
0x97: {  	_ =	strace $0x8FFFFFFF  }
0x98: {  	s19 =	sld [smem:$0x3FDB];
	_ =	sdelay $0x1  }
0x99: {  	s4 =	simm.s32 $_scs_section_size  }
0x9a: {  	s5 =	simm.s32 $_size__tile_overlayer_lowered;
	s6 =	simm.s32 $_tile_overlayer_lowered  }
0x9b: {  	s22 =	simm.s32 $0x1BFF;
	s21 =	sshll.u32 s6, $0x1;
	s3 =	sadd.s32 s4, s19  }
0x9c: {  	s7 =	simm.s32 $0x0;
	s20 =	sshll.u32 s5, $0x1;
	s5 =	sadd.s32 s21, s3  }
0x9d: {  	[timem:s7], [sflag:s22] =	dma.local [hbm:s5], s20  }
0x9e: {  	_ =	swait.ge [sflag:s22], s20  }
0x9f: {  	s4 =	ssub.s32 $0x0, s20;
	[sflag:s22] =	ssyncset.done $0x0  }
0xa0: {  	[sflag:s22] =	ssyncadd.s32 s4;
	_ =	sdelay $0x1  }
0xa1: {  	s23 =	simm.s32 $0x1B8B  }
0xa2: {  	_ =	swait.ge [sflag:s23], $0x1  }
0xa3: {  	[sflag:s23] =	ssyncset.done $0x0  }
0xa4: {  	s25 =	simm.s32 $0x1B8E;
	s24 =	sld [smem:$0x3FFE];
	[sflag:s23] =	ssyncadd.s32 $0xFFFFFFFF  }
0xa5: {  	s26 =	simm.s32 $execute0_lowered;
	[smem:$0x3FD2] =	sst s25  }
0xa6: {  	s5 =	sshll.u32 s26, $0x1;
	_ =	strace $0x80000049;
	[dreg:$0x1] =	wrdreg $0xFFFFFFFF  }
0xa7: {  	s28 =	simm.s32 $_size_execute0_lowered;
	s3 =	sadd.s32 s3, s5;
	[dreg:$0x0] =	wrdreg $0x0  }
0xa8: {  	s5 =	sshll.u32 s28, $0x1;
	[dreg:$0x2] =	wrdreg s3  }
0xa9: {  	[dreg:$0x3] =	wrdreg s5  }
0xaa: {  	[dreg:$0x4] =	wrdreg $0xC0  }
0xab: {  	_ =	task [dreg:s7], $0x5FFFF  }
0xac: {  	[dreg:$0x1] =	wrdreg $0xFFFFFFFF  }
0xad: {  	[dreg:$0x0] =	wrdreg $0x60  }
0xae: {  	[dreg:$0x2] =	wrdreg s24  }
0xaf: {  	[dreg:$0x3] =	wrdreg s2  }
0xb0: {  	[dreg:$0x4] =	wrdreg $0x49000  }
0xb1: {  	[dreg:$0x5] =	wrdreg $0x9  }
0xb2: {  	_ =	task.clear_ibuf [dreg:s7], $0x6FFFF;
	_ =	strace $0x90000049  }
0xb3: {  	s29 =	simm.s32 $0x9;
	_ =	strace $0x8000004B  }
0xb4: {  	_ =	swait.ge [sflag:s29], $0x1  }
0xb5: {  	[sflag:s29] =	ssyncadd.s32 $0xFFFFFFFF  }
0xb6: {  	_ =	strace $0x9000004B  }
0xb7: {  	_ =	sfence  }
0xb8: {  	s30 =	sld [smem:$0x0];
	_ =	sdelay $0x2  }
0xb9: {  	s31 =	sshll.u32 s1, $0xD;
	s1 =	sshrl.u32 s1, $0x2  }
0xba: {  	s3 =	sand.u32 $0x4000, s31;
	s1 =	sadd.s32 s1, s30  }
0xbb: {  	s0 =	sor.u32 s3, s0;
	s1 =	sshll.u32 s1, $0x11  }
0xbc: {  	s0 =	sor.u32 s1, s0  }
0xbd: {  	s0 =	sadd.s32 $0x8F2B, s0  }
0xbe: {  	[sflag:s0] =	ssyncadd.remote.s32 $0x1  }
0xbf: {  	_ =	sfence.sel $0xFFFF  }
0xc0: {  	[dreg:$0x0] =	wrdreg $0xFFFFFFFF;
	(pc) =	sbr.abs _section_cstart, $3  }
0xc1: {  	[dreg:$0x1] =	wrdreg $0xFFFFFFFF  }
0xc2: {  	_ =	task.clear_ibuf [dreg:s7], $0x2FFFF;
	_ =	strace $0x9FFFFFFF  }
0xc3: {  	(tm) =	ssettm $0x7FFFFFFF  }
tec
execute0_lowered:
.L_overlay_start_1:
0x0: {  	(tag) =	ssettag $0x1  }
0x1: {  	v0 =	vlaneseq.u32;
	v9 =	vimm.s32 $0xEDCBA987;
	v11 =	vimm.s32 $0x65432100  }
0x2: {  	v10 =	vimm.s32 $0x3200;
	v14 =	vimm.s32 $0xDCBA9876;
	v15 =	vimm.s32 $0x54321000  }
0x3: {  	v16 =	vimm.s32 $0xE40000;
	v17 =	vimm.s32 $0xBA987654;
	v18 =	vimm.s32 $0x32100000  }
0x4: {  	s0 =	stileid.u32;
	s26 =	rddreg [dreg:$0x0];
	s17 =	simm.s32 $0x0;
	vm0 =	vmmov $0x3;
	vm2 =	vcmask $0x3F30;
	vm1 =	vmmov $0xf  }
0x5: {  	s30 =	srdreg.scid;
	s19 =	simm.s32 $0x900;
	s20 =	simm.s32 $0x2;
	v12 =	vunpack.c.l.s4.s8 v9;
	v9 =	vimm.f32 $0.0e+00;
	v13 =	vunpack.c.l.s4.s8 v11  }
0x6: {  	s21 =	simm.s32 $0x80;
	s28 =	simm.s32 $0x0;
	s1 =	sshll.u32 s0, $0x7;
	v11 =	vimm.s32 $0x0;
	v14 =	vunpack.c.l.s4.s8 v14;
	v15 =	vunpack.c.l.s4.s8 v15  }
0x7: {  	[smem:$0x7FF] =	sst s17;
	v16 =	vunpack.c.l.s2.s4 v16;
	v17 =	vunpack.c.l.s4.s8 v17;
	v18 =	vunpack.c.l.s4.s8 v18;
	s2 =	sor.u32 $0x10, s1;
	s23 =	sor.u32 $0x20, s1  }
0x8: {  	v1 =	vor.u32 s1, v0;
	s3 =	sor.u32 $0x30, s1;
	s4 =	sor.u32 $0x40, s1;
	s24 =	sor.u32 $0x50, s1;
	v2 =	vor.u32 s2, v0;
	v3 =	vor.u32 s23, v0  }
0x9: {  	s7 =	smul.u32 $0x64000, s0;
	s5 =	sand.u32 $0x1, s30;
	s25 =	sor.u32 $0x60, s1;
	v4 =	vor.u32 s3, v0;
	v5 =	vor.u32 s4, v0;
	v6 =	vor.u32 s24, v0  }
0xa: {  	s6 =	sadd.s32 $0x359AE00, s26;
	s9 =	smul.u32 $0x320, s0;
	s29 =	sor.u32 $0x70, s1;
	v7 =	vor.u32 s25, v0;
	v12 =	vunpack.c.0.s8.s32 v12;
	v14 =	vunpack.c.0.s8.s32 v14  }
0xb: {  	s18 =	smul.u32 $0x186A0, s0;
	p0 =	sne.s32 s0, $0x0;
	s1 =	rddreg [dreg:$0x1];
	v8 =	vor.u32 s29, v0;
	v13 =	vunpack.c.0.s8.s32 v13;
	v15 =	vunpack.c.0.s8.s32 v15  }
0xc: {  	s3 =	rddreg [dreg:$0x2];
	_ =	strace $0x8000004A;
	s2 =	ssub.s32 $0x2, s5;
	v16 =	vunpack.c.l.s4.s8 v16;
	v12 =	vand.u32 $0xF, v12;
	v14 =	vand.u32 $0xF, v14  }
0xd: {  	s8 =	sshrl.u32 s7, $0x2;
	s7 =	sadd.s32 $0x2200, s26;
	s23 =	simm.s32 $0x1;
	v12 =	vcombine.low v13, v12;
	v13 =	vcombine.low v15, v14;
	v14 =	vunpack.c.0.s8.s32 v17  }
0xe: {  	s31 =	sshrl.u32 s2, $0x1;
	s8 =	sadd.s32 s8, s3;
	s16 =	sadd.s32 $0x190000, s3;
	v16 =	vunpack.c.0.s8.s32 v16;
	v15 =	vunpack.c.0.s8.s32 v18;
	v17 =	vimm.s32 $0x7060504  }
0xf: {  	s2 =	ssub.s32 s2, s31;
	s10 =	sadd.s32 $0x4000, s8;
	s11 =	sadd.s32 $0x8000, s8;
	v18 =	vimm.s32 $0xF;
	v17 =	vunpack.c.0.s8.s32 v17;
	v14 =	vand.u32 $0xF, v14  }
0x10: {  	s12 =	sadd.s32 $0xC000, s8;
	s13 =	sadd.s32 $0x10000, s8;
	s2 =	smax.u32 s2, $0x1;
	v14 =	vcombine.low v15, v14;
	v15 =	vand.u32 $0x3, v16;
	v16 =	vimm.s32 $0x7  }
0x11: {  	s14 =	sadd.s32 $0x14000, s8;
	s15 =	sadd.s32 $0x18000, s8;
	[dreg:$0x5] =	wrdreg s2;
	v15 =	vsel vm2, v17, v15;
	vm2 =	vmmov $0xff;
	v17 =	vadd.s32 $0x1, v0  }
.LBB2_1:
0x12: {  	[dreg:$0x4] =	wrdreg s17;
	s25 =	simm.s32 $0x0  }
.LBB2_2:
0x13: {  	s2 =	simm.s32 $0x0;
	s4 =	simm.s32 $0x200  }
.LBB2_3:
0x14: {  	p1 =	sne.s32 s4, $0xFE00;
	[tilespmem:s2+$0x970] =	vst v9  }
0x15: {  	[tilespmem:s2+$0x900] =	vst v9  }
0x16: {  	[tilespmem:s2+$0x910] =	vst v9  }
.Ltmp0:
0x17: {  	[tilespmem:s2+$0x920] =	vst v9;
	(pc) =	sbr.rel @p1 .LBB2_3-.Ltmp0, $4  }
0x18: {  	[tilespmem:s2+$0x930] =	vst v9  }
0x19: {  	[tilespmem:s2+$0x940] =	vst v9  }
0x1a: {  	[tilespmem:s2+$0x950] =	vst v9  }
0x1b: {  	[tilespmem:s2+$0x960] =	vst v9;
	s2 =	sshra.s32 s4, $0x2;
	s4 =	sadd.s32 $0x200, s4  }
0x1c: {  	[tilespmem:s2+$0x970] =	vst v9  }
0x1d: {  	[tilespmem:s2+$0x900] =	vst v9  }
0x1e: {  	[tilespmem:s2+$0x910] =	vst v9  }
0x1f: {  	[tilespmem:s2+$0x920] =	vst v9  }
0x20: {  	[tilespmem:s2+$0x930] =	vst v9  }
0x21: {  	[tilespmem:s2+$0x940] =	vst v9  }
0x22: {  	[tilespmem:s2+$0x950] =	vst v9  }
0x23: {  	[tilespmem:s2+$0x960] =	vst v9  }
0x24: {  	[spmem:s8] =	stream.linear.scatter [tilespmem:s19], [sflag:$0x2], $0x4000, $0x38;
	[tilespmem:$0x1D980] =	vst v63  }
0x25: {  	_ =	swait.ge [sflag:s20], $0x4000  }
0x26: {  	[sflag:s20] =	ssyncset.done $0x0  }
0x27: {  	[sflag:s20] =	ssyncadd.s32 $0xFFFFC000  }
0x28: {  	[spmem:s10] =	stream.linear.scatter [tilespmem:s19], [sflag:$0x2], $0x4000, $0x38;
	[tilespmem:$0x1D980] =	vst v63  }
0x29: {  	_ =	swait.ge [sflag:s20], $0x4000  }
0x2a: {  	[sflag:s20] =	ssyncset.done $0x0  }
0x2b: {  	[sflag:s20] =	ssyncadd.s32 $0xFFFFC000  }
0x2c: {  	[spmem:s11] =	stream.linear.scatter [tilespmem:s19], [sflag:$0x2], $0x4000, $0x38;
	[tilespmem:$0x1D980] =	vst v63  }
0x2d: {  	_ =	swait.ge [sflag:s20], $0x4000  }
0x2e: {  	[sflag:s20] =	ssyncset.done $0x0  }
0x2f: {  	[sflag:s20] =	ssyncadd.s32 $0xFFFFC000  }
0x30: {  	[spmem:s12] =	stream.linear.scatter [tilespmem:s19], [sflag:$0x2], $0x4000, $0x38;
	[tilespmem:$0x1D980] =	vst v63  }
0x31: {  	_ =	swait.ge [sflag:s20], $0x4000  }
0x32: {  	[sflag:s20] =	ssyncset.done $0x0  }
0x33: {  	[sflag:s20] =	ssyncadd.s32 $0xFFFFC000  }
0x34: {  	[spmem:s13] =	stream.linear.scatter [tilespmem:s19], [sflag:$0x2], $0x4000, $0x38;
	[tilespmem:$0x1D980] =	vst v63  }
0x35: {  	_ =	swait.ge [sflag:s20], $0x4000  }
0x36: {  	[sflag:s20] =	ssyncset.done $0x0  }
0x37: {  	[sflag:s20] =	ssyncadd.s32 $0xFFFFC000  }
0x38: {  	[spmem:s14] =	stream.linear.scatter [tilespmem:s19], [sflag:$0x2], $0x4000, $0x38;
	[tilespmem:$0x1D980] =	vst v63  }
0x39: {  	_ =	swait.ge [sflag:s20], $0x4000  }
0x3a: {  	[sflag:s20] =	ssyncset.done $0x0  }
0x3b: {  	[sflag:s20] =	ssyncadd.s32 $0xFFFFC000  }
0x3c: {  	[spmem:s15] =	stream.linear.scatter [tilespmem:s19], [sflag:$0x2], $0x1000, $0x38;
	[tilespmem:$0x1D980] =	vst v63  }
0x3d: {  	_ =	swait.ge [sflag:s20], $0x1000  }
0x3e: {  	[sflag:s20] =	ssyncset.done $0x0  }
0x3f: {  	s2 =	simm.s32 @!p0 $0x900;
	[sflag:s20] =	ssyncadd.s32 $0xFFFFF000  }
0x40: {  	[spmem:s16] =	stream.linear.scatter @!p0 [tilespmem:s2], [sflag:$0x2], $0x800, $0x38;
	[tilespmem:$0x1D980] =	vst v63  }
0x41: {  	s2 =	simm.s32 @!p0 $0x2  }
0x42: {  	_ =	swait.ge @!p0 [sflag:s2], $0x800  }
0x43: {  	[sflag:s2] =	ssyncset.done @!p0 $0x0  }
0x44: {  	[sflag:s2] =	ssyncadd.s32 @!p0 $0xFFFFF800  }
0x45: {  	[tilespmem:$0x800] =	vst v10  }
0x46: {  	[tilespmem:$0x880] =	vst v1  }
0x47: {  	[tilespmem:$0x810] =	vst v10  }
0x48: {  	[tilespmem:$0x890] =	vst v2  }
0x49: {  	[tilespmem:$0x820] =	vst v10  }
0x4a: {  	[tilespmem:$0x8A0] =	vst v3  }
0x4b: {  	[tilespmem:$0x830] =	vst v10  }
0x4c: {  	[tilespmem:$0x8B0] =	vst v4  }
0x4d: {  	[tilespmem:$0x840] =	vst v10  }
0x4e: {  	[tilespmem:$0x8C0] =	vst v5  }
0x4f: {  	[tilespmem:$0x850] =	vst v10  }
0x50: {  	s29 =	sshll.u32 s25, $0x1;
	[tilespmem:$0x8D0] =	vst v6  }
0x51: {  	s2 =	sor.u32 s5, s29;
	[tilespmem:$0x860] =	vst v10  }
0x52: {  	[tilespmem:$0x8E0] =	vst v7;
	s26 =	smul.u32 $0x3200, s2  }
0x53: {  	[tilespmem:$0x870] =	vst v10  }
0x54: {  	s17 =	smov.u32 s18;
	[tilespmem:$0x8F0] =	vst v8;
	s2 =	sadd.s32 $0x3200, s26  }
0x55: {  	s31 =	simm.s32 $0x0;
	s30 =	simm.s32 $0x0;
	[bflag:$0x0] =	sbarrier.arrive $0xFFFF;
	v19 =	vmov s26;
	v20 =	vmov s2  }
.LBB2_5:
0x56: {  	s2 =	smul.u32 $0x7D0, s30;
	_ =	sdelay $0x1  }
0x57: {  	s2 =	sadd.s32 s18, s2  }
0x58: {  	s2 =	sshrl.u32 s2, $0x3  }
0x59: {  	s2 =	sadd.s32 s1, s2  }
0x5a: {  	[tilespmem:s28], [sflag:$0x2] =	stream.linear.gather [hbm4b:s2+s28], $0x7D0, $0x38;
	[tilespmem:$0x1D980] =	vst v63  }
0x5b: {  	_ =	swait.ge [sflag:s20], $0x7D0  }
0x5c: {  	[sflag:s20] =	ssyncset.done $0x0  }
0x5d: {  	s22 =	simm.s32 $0x0;
	[sflag:s20] =	ssyncadd.s32 $0xFFFFF830  }
0x5e: {  	v21 =	vld [tilespmem:s22+$0x0];
	_ =	sdelay $0x4  }
0x5f: {  	vm3 =	vge.s32 v21, v19;
	vm4 =	vlt.s32 v21, v20  }
0x60: {  	vm4 =	vmand vm3, vm4  }
0x61: {  	v22 =	vsel vm4, $0x1, v11  }
0x62: {  	v23 =	vperm.xlane v22, v12  }
0x63: {  	vm3 =	veq.s32 v0, $0x0  }
0x64: {  	v23 =	vsel vm3, $0x0, v23  }
0x65: {  	v22 =	vadd.s32 v22, v23  }
0x66: {  	v23 =	vperm.xlane v22, v13;
	_ =	sdelay $0x1  }
0x67: {  	v23 =	vsel vm0, $0x0, v23  }
0x68: {  	v22 =	vadd.s32 v23, v22  }
0x69: {  	v23 =	vperm.xlane v22, v14;
	_ =	sdelay $0x1  }
0x6a: {  	v23 =	vsel vm1, $0x0, v23  }
0x6b: {  	v22 =	vadd.s32 v23, v22  }
0x6c: {  	v23 =	vperm.xlane v22, v15;
	_ =	sdelay $0x1  }
0x6d: {  	v23 =	vsel vm2, $0x0, v23  }
0x6e: {  	v22 =	vadd.s32 v23, v22  }
0x6f: {  	v23 =	vperm.xlane v22, v16;
	_ =	sdelay $0x1  }
0x70: {  	vm5 =	vlt.s32 v23, v17  }
0x71: {  	v23 =	vsel vm5, $0x8, v11  }
0x72: {  	(v2sf) =	vpush v22, $0xF;
	v24 =	vor.u32 $0x3, v23  }
0x73: {  	v24 =	vperm.xlane v22, v24;
	_ =	sdelay $0x1  }
0x74: {  	v25 =	vor.u32 $0x4, v23;
	vm5 =	vlt.s32 v24, v17  }
0x75: {  	v23 =	vsel vm5, v25, v23  }
0x76: {  	v60 =	vor.u32 $0x1, v23  }
0x77: {  	v24 =	vperm.xlane v22, v60;
	_ =	sdelay $0x1  }
0x78: {  	v25 =	vor.u32 $0x2, v23;
	vm5 =	vlt.s32 v24, v17  }
0x79: {  	v23 =	vsel vm5, v25, v23  }
0x7a: {  	v61 =	vperm.xlane v22, v23;
	_ =	sdelay $0x1  }
0x7b: {  	vm5 =	vlt.s32 v61, v17  }
0x7c: {  	v62 =	vor.u32 s17, v0;
	v21 =	vsub.s32 v21, v19;
	v24 =	vsel vm5, $0x1, v11  }
0x7d: {  	v21 =	vnsel vm4, $0x3200, v21;
	v22 =	vperm.xlane v22, v18;
	v23 =	vor.u32 v24, v23  }
0x7e: {  	v63 =	vsel vm4, v62, v0;
	s24 =	spop (v2sf);
	v21 =	vperm.xlane v21, v23  }
0x7f: {  	s0 =	sadd.s32 s31, s24;
	vm4 =	vgt.s32 v22, v0;
	v23 =	vperm.xlane v63, v23  }
0x80: {  	p2 =	slt.s32 s0, $0x71;
	v21 =	vnsel vm4, $0x3200, v21  }
0x81: {  	s2 =	simm.s32 @!p2 $0x80;
	v22 =	vsel vm4, v23, v0;
	[tilespmem:s31+$0x800] =	vst v21  }
0x82: {  	s4 =	simm.s32 @!p2 $0x880;
	s29 =	simm.s32 @!p2 $0x900;
	[tilespmem:s31+$0x880] =	vst v22;
	s31 =	simm.s32 @!p2 $0x1  }
0x83: {  	[tilespmem:s29], [sflag:$0x1] =	stream.indirect.gather @!p2 [hbm4b:s6+s2], $0x80, s4, s2, $0xb8;
	[tilespmem:$0x1D980] =	vst v63  }
0x84: {  	_ =	swait.ge @!p2 [sflag:s31], $0x4000  }
0x85: {  	p1 =	sgt.s32 s0, $0x70;
	s22 =	simm.s32 @!p2 $0x800;
	[sflag:s31] =	ssyncset.done @!p2 $0x0  }
0x86: {  	s0 =	simm.s32 @p1 $0x0;
	s4 =	simm.s32 @!p2 $0x2;
	[sflag:s31] =	ssyncadd.s32 @!p2 $0xFFFFC000  }
0x87: {  	[spmem:s3] =	stream.indirect.scatter.add.f32 @!p2 [tilespmem:s29], [sflag:$0x2], $0x80, s22, s2, $0xb8;
	[tilespmem:$0x1D980] =	vst v63  }
0x88: {  	s31 =	smov.u32 s0;
	_ =	swait.ge @!p2 [sflag:s4], $0x4000  }
0x89: {  	s2 =	simm.s32 $0x40;
	s29 =	smov.u32 s17;
	[sflag:s4] =	ssyncset.done @!p2 $0x0  }
.LBB2_6:
0x8a: {  	[sflag:s4] =	ssyncadd.s32 @!p2 $0xFFFFC000;
	s29 =	sadd.s32 $0x10, s29  }
0x8b: {  	s0 =	smov.u32 s2;
	s2 =	sadd.s32 $0x40, s2;
	s4 =	smov.u32 s31  }
0x8c: {  	v21 =	vimm.s32 @!p2 $0x3200;
	p1 =	sne.s32 s2, $0x1F40;
	[tilespmem:$0x8F0] =	vst @!p2 v8  }
0x8d: {  	[tilespmem:$0x870] =	vst @!p2 v21  }
0x8e: {  	[tilespmem:$0x8E0] =	vst @!p2 v7  }
0x8f: {  	[tilespmem:$0x860] =	vst @!p2 v21  }
0x90: {  	[tilespmem:$0x8D0] =	vst @!p2 v6  }
0x91: {  	[tilespmem:$0x850] =	vst @!p2 v21  }
0x92: {  	[tilespmem:$0x8C0] =	vst @!p2 v5  }
0x93: {  	[tilespmem:$0x840] =	vst @!p2 v21  }
0x94: {  	[tilespmem:$0x8B0] =	vst @!p2 v4  }
0x95: {  	[tilespmem:$0x830] =	vst @!p2 v21  }
0x96: {  	[tilespmem:$0x8A0] =	vst @!p2 v3  }
0x97: {  	[tilespmem:$0x890] =	vst @!p2 v2  }
0x98: {  	[tilespmem:$0x880] =	vst @!p2 v1  }
0x99: {  	[tilespmem:$0x820] =	vst @!p2 v21  }
0x9a: {  	[tilespmem:$0x810] =	vst @!p2 v21  }
0x9b: {  	s0 =	sshra.s32 s0, $0x2;
	[tilespmem:$0x800] =	vst @!p2 v21  }
0x9c: {  	v21 =	vld [tilespmem:s0+$0x0];
	_ =	sdelay $0x4  }
0x9d: {  	vm4 =	vge.s32 v21, v19;
	vm5 =	vlt.s32 v21, v20  }
0x9e: {  	vm4 =	vmand vm4, vm5  }
0x9f: {  	v22 =	vsel vm4, $0x1, v11  }
0xa0: {  	v23 =	vperm.xlane v22, v12;
	_ =	sdelay $0x1  }
0xa1: {  	v23 =	vsel vm3, $0x0, v23  }
0xa2: {  	v22 =	vadd.s32 v22, v23  }
0xa3: {  	v23 =	vperm.xlane v22, v13;
	_ =	sdelay $0x1  }
0xa4: {  	v23 =	vsel vm0, $0x0, v23  }
0xa5: {  	v22 =	vadd.s32 v23, v22  }
0xa6: {  	v23 =	vperm.xlane v22, v14;
	_ =	sdelay $0x1  }
0xa7: {  	v23 =	vsel vm1, $0x0, v23  }
0xa8: {  	v22 =	vadd.s32 v23, v22  }
0xa9: {  	v23 =	vperm.xlane v22, v15;
	_ =	sdelay $0x1  }
0xaa: {  	v23 =	vsel vm2, $0x0, v23  }
0xab: {  	v22 =	vadd.s32 v23, v22  }
0xac: {  	v23 =	vperm.xlane v22, v16;
	v24 =	vperm.xlane v22, v18;
	(v2sf) =	vpush v22, $0xF;
	_ =	sdelay $0x1  }
0xad: {  	vm5 =	vlt.s32 v23, v17  }
0xae: {  	v23 =	vsel vm5, $0x8, v11  }
0xaf: {  	v25 =	vor.u32 $0x3, v23  }
0xb0: {  	v25 =	vperm.xlane v22, v25;
	_ =	sdelay $0x1  }
0xb1: {  	v26 =	vor.u32 $0x4, v23;
	vm5 =	vlt.s32 v25, v17  }
0xb2: {  	v23 =	vsel vm5, v26, v23  }
0xb3: {  	v25 =	vor.u32 $0x1, v23  }
0xb4: {  	v25 =	vperm.xlane v22, v25;
	_ =	sdelay $0x1  }
0xb5: {  	v26 =	vor.u32 $0x2, v23;
	vm5 =	vlt.s32 v25, v17  }
0xb6: {  	v23 =	vsel vm5, v26, v23  }
0xb7: {  	v22 =	vperm.xlane v22, v23  }
0xb8: {  	s0 =	spop (v2sf)  }
0xb9: {  	vm5 =	vlt.s32 v22, v17;
	s0 =	sadd.s32 s31, s0  }
0xba: {  	v21 =	vsub.s32 v21, v19;
	v25 =	vor.u32 s29, v0;
	v22 =	vsel vm5, $0x1, v11;
	p2 =	sgt.s32 s0, $0x70;
	s31 =	smov.u32 s0  }
0xbb: {  	v21 =	vnsel vm4, $0x3200, v21;
	v22 =	vor.u32 v22, v23;
	v23 =	vsel vm4, v25, v0;
	s31 =	simm.s32 @p2 $0x0  }
0xbc: {  	v21 =	vperm.xlane v21, v22;
	v22 =	vperm.xlane v23, v22  }
0xbd: {  	vm4 =	vgt.s32 v24, v0  }
0xbe: {  	p2 =	slt.s32 s0, $0x71;
	v21 =	vnsel vm4, $0x3200, v21;
	v22 =	vsel vm4, v22, v0  }
0xbf: {  	s0 =	simm.s32 @!p2 $0x80;
	s22 =	simm.s32 @!p2 $0x880;
	s24 =	simm.s32 @!p2 $0x900;
	[tilespmem:s4+$0x800] =	vst v21  }
0xc0: {  	[tilespmem:s4+$0x880] =	vst v22;
	s4 =	simm.s32 @!p2 $0x1  }
0xc1: {  	[tilespmem:s24], [sflag:$0x1] =	stream.indirect.gather @!p2 [hbm4b:s6+s0], $0x80, s22, s0, $0xb8;
	[tilespmem:$0x1D980] =	vst v63  }
0xc2: {  	_ =	swait.ge @!p2 [sflag:s4], $0x4000  }
.Ltmp1:
0xc3: {  	s22 =	simm.s32 @!p2 $0x800;
	[sflag:s4] =	ssyncset.done @!p2 $0x0;
	(pc) =	sbr.rel @p1 .LBB2_6-.Ltmp1, $4  }
0xc4: {  	[sflag:s4] =	ssyncadd.s32 @!p2 $0xFFFFC000;
	s4 =	simm.s32 @!p2 $0x2  }
0xc5: {  	[spmem:s3] =	stream.indirect.scatter.add.f32 @!p2 [tilespmem:s24], [sflag:$0x2], $0x80, s22, s0, $0xb8;
	[tilespmem:$0x1D980] =	vst v63  }
0xc6: {  	_ =	swait.ge @!p2 [sflag:s4], $0x4000  }
0xc7: {  	[sflag:s4] =	ssyncset.done @!p2 $0x0  }
0xc8: {  	[sflag:s4] =	ssyncadd.s32 @!p2 $0xFFFFC000  }
0xc9: {  	v21 =	vimm.s32 @!p2 $0x3200;
	[tilespmem:$0x8F0] =	vst @!p2 v8  }
0xca: {  	[tilespmem:$0x870] =	vst @!p2 v21  }
0xcb: {  	[tilespmem:$0x8E0] =	vst @!p2 v7  }
0xcc: {  	[tilespmem:$0x860] =	vst @!p2 v21  }
0xcd: {  	[tilespmem:$0x8D0] =	vst @!p2 v6  }
0xce: {  	[tilespmem:$0x850] =	vst @!p2 v21  }
0xcf: {  	[tilespmem:$0x8C0] =	vst @!p2 v5  }
0xd0: {  	[tilespmem:$0x840] =	vst @!p2 v21  }
0xd1: {  	[tilespmem:$0x8B0] =	vst @!p2 v4  }
0xd2: {  	s30 =	sadd.s32 $0x1, s30;
	[tilespmem:$0x830] =	vst @!p2 v21  }
0xd3: {  	[tilespmem:$0x8A0] =	vst @!p2 v3;
	p1 =	sne.s32 s30, $0x32  }
.Ltmp2:
0xd4: {  	[tilespmem:$0x890] =	vst @!p2 v2;
	(pc) =	sbr.rel @p1 .LBB2_5-.Ltmp2, $4  }
0xd5: {  	[tilespmem:$0x880] =	vst @!p2 v1  }
0xd6: {  	[tilespmem:$0x820] =	vst @!p2 v21  }
0xd7: {  	[tilespmem:$0x810] =	vst @!p2 v21  }
0xd8: {  	s17 =	sadd.s32 $0x7D0, s17;
	[tilespmem:$0x800] =	vst @!p2 v21  }
0xd9: {  	s0 =	simm.s32 $0x880  }
0xda: {  	[tilespmem:s19], [sflag:$0x1] =	stream.indirect.gather [hbm4b:s6+s21], $0x80, s0, s21, $0xb8;
	[tilespmem:$0x1D980] =	vst v63  }
0xdb: {  	_ =	swait.ge [sflag:s23], $0x4000  }
0xdc: {  	[sflag:s23] =	ssyncset.done $0x0  }
0xdd: {  	s30 =	simm.s32 $0x800;
	[sflag:s23] =	ssyncadd.s32 $0xFFFFC000  }
0xde: {  	[spmem:s3] =	stream.indirect.scatter.add.f32 [tilespmem:s19], [sflag:$0x2], $0x80, s30, s21, $0xb8;
	[tilespmem:$0x1D980] =	vst v63  }
0xdf: {  	_ =	swait.ge [sflag:s20], $0x4000  }
0xe0: {  	[sflag:s20] =	ssyncset.done $0x0  }
0xe1: {  	[sflag:s20] =	ssyncadd.s32 $0xFFFFC000  }
0xe2: {  	[tilespmem:$0x800] =	vst v10  }
0xe3: {  	[tilespmem:$0x880] =	vst v1  }
0xe4: {  	[tilespmem:$0x810] =	vst v10  }
0xe5: {  	[tilespmem:$0x890] =	vst v2  }
0xe6: {  	[tilespmem:$0x820] =	vst v10  }
0xe7: {  	[tilespmem:$0x8A0] =	vst v3  }
0xe8: {  	[tilespmem:$0x830] =	vst v10  }
0xe9: {  	[tilespmem:$0x8B0] =	vst v4  }
0xea: {  	[tilespmem:$0x840] =	vst v10  }
0xeb: {  	[tilespmem:$0x8C0] =	vst v5  }
0xec: {  	[tilespmem:$0x850] =	vst v10  }
0xed: {  	[tilespmem:$0x8D0] =	vst v6  }
0xee: {  	[tilespmem:$0x860] =	vst v10  }
0xef: {  	s31 =	sadd.s32 s9, s26;
	s2 =	stileid.u32;
	[tilespmem:$0x8E0] =	vst v7  }
0xf0: {  	s4 =	sshrl.u32 s8, $0x3;
	s25 =	sadd.s32 $0x1, s25;
	s0 =	sshll.u32 s31, $0x4;
	[tilespmem:$0x870] =	vst v10  }
0xf1: {  	s2 =	sshll.u32 s2, $0x6;
	p1 =	sne.s32 s25, $0x4;
	s0 =	sadd.s32 s7, s0;
	[tilespmem:$0x8F0] =	vst v8  }
.Ltmp3:
0xf2: {  	s2 =	sor.u32 $0x1C02, s2;
	[bflag:$0x0] =	sbarrier.arrive $0xFFFF;
	(pc) =	sbr.rel @p1 .LBB2_2-.Ltmp3, $4  }
0xf3: {  	[hbm:s0], [sflag:s2] =	dma.local [spmem:s4], $0x3200  }
0xf4: {  	_ =	swait.ge [sflag:s20], $0x3200  }
0xf5: {  	[sflag:s20] =	ssyncset.done $0x0  }
0xf6: {  	[sflag:s20] =	ssyncadd.s32 $0xFFFFCE00  }
0xf7: {  	s17 =	rddreg [dreg:$0x4]  }
0xf8: {  	s0 =	rddreg [dreg:$0x5];
	s17 =	sadd.s32 $0x1, s17  }
0xf9: {  	p1 =	sne.s32 s17, s0  }
.Ltmp4:
0xfa: {  	_ = 	snop;
	(pc) =	sbr.rel @p1 .LBB2_1-.Ltmp4, $1  }
0xfb: {  	_ =	sdelay $0x3  }
0xfc: {  	_ =	sfence.sel $0x180000  }
0xfd: {  	[bflag:$0x0] =	sbarrier.arrive $0xFFFF  }
0xfe: {  	_ =	strace $0x9000004A  }
0xff: {  	[bflag:$0x2] =	sbarrier.arrive $0xFFFF  }
0x100: {  	s0 =	rddreg [dreg:$0x3]  }
0x101: {  	s0 =	sadd.s32 @!p0 $0x100000, s0  }
0x102: {  	[sflag:s0] =	ssyncadd.tile.s32 @!p0 $0x1;
	_ =	shalt  }
.Lfunc_end2:
_tile_overlayer_lowered:
.L_overlay_start_2:
0x103: {  	(tag) =	ssettag $0x2  }
0x104: {  	s0 =	rddreg [dreg:$0x0];
	s2 =	stileid.u32  }
0x105: {  	s1 =	rddreg [dreg:$0x1];
	p0 =	sne.s32 s2, $0x0  }
0x106: {  	s3 =	rddreg [dreg:$0x2];
	[bflag:$0x3] =	sbarrier.arrive $0xFFFF;
	s2 =	simm.s32 @!p0 $0x1C02  }
0x107: {  	[timem:s3], [sflag:s2] =	dma.local @!p0 [hbm:s0], s1  }
0x108: {  	s0 =	simm.s32 @!p0 $0x2  }
0x109: {  	_ =	swait.ge @!p0 [sflag:s0], s1  }
0x10a: {  	s1 =	ssub.s32 @!p0 $0x0, s1;
	[sflag:s0] =	ssyncset.done @!p0 $0x0  }
0x10b: {  	[sflag:s0] =	ssyncadd.s32 @!p0 s1  }
0x10c: {  	[bflag:$0x3] =	sbarrier.arrive $0xFFFF  }
0x10d: {  	_ =	shalt  }

</sc_bundles>
